<compile_context>
chip_gen: v7x
topology: tpu7x:2x2x1
jax: 0.10.2.dev20260603
libtpu: 0.0.44.dev20260713+nightly
codegen_flags: <defaults>
</compile_context>

<pallas_src>
import functools

import jax
import jax.numpy as jnp
import numpy as np
from jax import lax
from jax.experimental import pallas as pl
from jax.experimental.pallas import tpu as pltpu
from jax.experimental.pallas import tpu_sc as plsc

_NATOMS = np.array([256, 384, 192, 320, 288, 224, 352, 160,
                    256, 384, 192, 320, 288, 224, 352, 160], dtype=np.int64)
_B = int(_NATOMS.shape[0])
_NUMELS = 9 * _NATOMS ** 2
_TOTAL = int(_NUMELS.sum())

_CHUNK = 2304
_NCHUNK = _TOTAL // _CHUNK
_LANES = 16
_NW = 32

_G9 = 9216
_NG9 = _TOTAL // _G9
_TC_G9 = 620
_TC_WORDS = _TC_G9 * _G9
_C0 = _TC_G9 * (_G9 // _CHUNK)

_G = 2
_GCHUNK = _CHUNK * _G
_NBUF = 4
_NCHUNK_SC = _NCHUNK - _C0
_NGROUP_SC = _NCHUNK_SC // _G
_PER_WG = -(-_NGROUP_SC // _NW)
_PER_WG += (-_PER_WG) % _NBUF
_NCHUNK_TABLE = _C0 + _NW * _PER_WG * _G

_VEC_PER_CHUNK = _CHUNK // _LANES
_INNER_UNROLL = 8
_INNER_STEPS = _VEC_PER_CHUNK // _INNER_UNROLL

_w = np.repeat(1.0 / (_B * _NUMELS.astype(np.float64)),
               (_NUMELS // _CHUNK).astype(np.int64))
_WEIGHTS = np.zeros((_NCHUNK_TABLE, _LANES), dtype=np.float32)
_WEIGHTS[:_NCHUNK, :] = _w.astype(np.float32)[:, None]
_WEIGHTS = _WEIGHTS.reshape(-1)

_WTC = np.repeat(1.0 / (_B * _NUMELS.astype(np.float64)),
                 (_NUMELS // _G9).astype(np.int64)).astype(np.float32)
_WTC = _WTC[:_TC_G9].reshape(_TC_G9, 1, 1)


def _sc_body(pred_hbm, targ_hbm, w_hbm, out_hbm,
             pb0, pb1, pb2, pb3, tb0, tb1, tb2, tb3, wv, ov,
             sp0, sp1, sp2, sp3, st0, st1, st2, st3):
    nc = 2
    wid = lax.axis_index("s") * nc + lax.axis_index("c")
    gbase = wid * _PER_WG

    pltpu.sync_copy(
        w_hbm.at[pl.ds((_C0 + gbase * _G) * _LANES, _PER_WG * _G * _LANES)],
        wv)

    pbufs = (pb0, pb1, pb2, pb3)
    tbufs = (tb0, tb1, tb2, tb3)
    psems = (sp0, sp1, sp2, sp3)
    tsems = (st0, st1, st2, st3)

    def g_off(gt):
        g = gbase + gt
        gd = jnp.minimum(g, _NGROUP_SC - 1)
        return _C0 * _CHUNK + gd * _GCHUNK

    def start(b, gt):
        off = g_off(gt)
        pltpu.make_async_copy(
            pred_hbm.at[pl.ds(off, _GCHUNK)], pbufs[b], psems[b]).start()
        pltpu.make_async_copy(
            targ_hbm.at[pl.ds(off, _GCHUNK)], tbufs[b], tsems[b]).start()

    def wait(b, gt):
        off = g_off(gt)
        pltpu.make_async_copy(
            pred_hbm.at[pl.ds(off, _GCHUNK)], pbufs[b], psems[b]).wait()
        pltpu.make_async_copy(
            targ_hbm.at[pl.ds(off, _GCHUNK)], tbufs[b], tsems[b]).wait()

    for b in range(_NBUF):
        start(b, b)

    def ring(qq, acc):
        for b in range(_NBUF):
            gt = _NBUF * qq + b
            wait(b, gt)
            pb, tb = pbufs[b], tbufs[b]

            for g in range(_G):
                sbase = g * _CHUNK

                def inner(i, carry, sbase=sbase, pb=pb, tb=tb):
                    a0, a1 = carry
                    ibase = sbase + i * (_INNER_UNROLL * _LANES)
                    for u in range(_INNER_UNROLL):
                        off = ibase + u * _LANES
                        d = pb[pl.ds(off, _LANES)] - tb[pl.ds(off, _LANES)]
                        if u % 2 == 0:
                            a0 = a0 + d * d
                        else:
                            a1 = a1 + d * d
                    return a0, a1

                zero = jnp.zeros((_LANES,), jnp.float32)
                a0, a1 = lax.fori_loop(0, _INNER_STEPS, inner, (zero, zero))

                wvec = wv[pl.ds((gt * _G + g) * _LANES, _LANES)]
                acc = acc + (a0 + a1) * wvec

            @pl.when(qq < (_PER_WG // _NBUF) - 1)
            def _():
                start(b, gt + _NBUF)
        return acc

    acc = lax.fori_loop(0, _PER_WG // _NBUF, ring,
                        jnp.zeros((_LANES,), jnp.float32))

    ov[...] = acc
    pltpu.sync_copy(ov, out_hbm.at[wid])


_sc_kernel = functools.partial(
    pl.kernel,
    out_type=jax.ShapeDtypeStruct((_NW, _LANES), jnp.float32),
    mesh=plsc.VectorSubcoreMesh(core_axis_name="c", subcore_axis_name="s"),
    scratch_types=(
        [pltpu.VMEM((_GCHUNK,), jnp.float32) for _ in range(2 * _NBUF)]
        + [pltpu.VMEM((_PER_WG * _G * _LANES,), jnp.float32),
           pltpu.VMEM((_LANES,), jnp.float32)]
        + [pltpu.SemaphoreType.DMA for _ in range(2 * _NBUF)]
    ),
)(_sc_body)


def _tc_body(p_ref, t_ref, w_ref, o_ref):
    @pl.when(pl.program_id(0) == 0)
    def _():
        o_ref[0, 0] = 0.0

    d = p_ref[...] - t_ref[...]
    o_ref[0, 0] += w_ref[0, 0, 0] * jnp.sum(d * d)


def _tc_partial(pred_prefix, targ_prefix, wtc):
    return pl.pallas_call(
        _tc_body,
        grid=(_TC_G9,),
        in_specs=[
            pl.BlockSpec((1, 72, 128), lambda i: (i, 0, 0)),
            pl.BlockSpec((1, 72, 128), lambda i: (i, 0, 0)),
            pl.BlockSpec((1, 1, 1), lambda i: (i, 0, 0),
                         memory_space=pltpu.SMEM),
        ],
        out_specs=pl.BlockSpec((1, 1), lambda i: (0, 0),
                               memory_space=pltpu.SMEM),
        out_shape=jax.ShapeDtypeStruct((1, 1), jnp.float32),
    )(pred_prefix, targ_prefix, wtc)


def kernel(pred, target, natoms):
    del natoms
    pred = pred.reshape(-1)
    target = target.reshape(-1)
    w = jnp.asarray(_WEIGHTS)
    wtc = jnp.asarray(_WTC)

    sc_part = _sc_kernel(pred, target, w)
    pp = pred[:_TC_WORDS].reshape(_TC_G9, 72, 128)
    tp = target[:_TC_WORDS].reshape(_TC_G9, 72, 128)
    tc_part = _tc_partial(pp, tp, wtc)

    return jnp.sum(sc_part) + tc_part[0, 0]

# --- scband reference (transcript-rebuilt; emitter-appended) ---
"""Pipeline reference for scband-batch-hessian-loss-35957466202208 (READ-ONLY COPY).

The authoritative reference and input builder live on the scoring server;
editing this copy changes nothing except your own understanding.
"""

import jax, jax.numpy as jnp
import numpy as np

# Fixed ragged natoms per molecule (B=16). These are STATIC shape metadata,
# mirroring torch_geometric Batch.natoms. total hessian elems = 9 * sum(N^2).
NATOMS = np.array([256, 384, 192, 320, 288, 224, 352, 160,
                   256, 384, 192, 320, 288, 224, 352, 160], dtype=np.int64)


def _mse_lossfn(hessian_pred, hessian_true, N):
    # lossfn returns a scalar; N is available but plain MSE ignores it
    return jnp.mean((hessian_pred - hessian_true) ** 2)


def setup_inputs(seed: int = 0) -> dict:
    key = jax.random.key(seed)
    numels = 9 * NATOMS ** 2
    total = int(numels.sum())
    k1, k2 = jax.random.split(key)
    pred = jax.random.normal(k1, (total,), dtype=jnp.float32)
    target = jax.random.normal(k2, (total,), dtype=jnp.float32)
    natoms = jnp.asarray(NATOMS)
    return {"pred": pred, "target": target, "natoms": natoms}


def reference(pred, target, natoms):
    # batch_hessian_loss with mask_hessian=False and loss_fn = MSE.
    # Process each molecule's (3N)^2 hessian block separately (ragged segments).
    na = NATOMS  # static host-side copy of natoms for python-level slicing
    B = int(na.shape[0])
    numels = 9 * na ** 2
    ptr_hessian = np.concatenate([np.array([0], dtype=np.int64), numels])
    ptr_hessian = np.cumsum(ptr_hessian)
    hessian_pred = pred.reshape(-1)
    hessian_true = target.reshape(-1)
    losses = []
    for _b in range(B):
        _start = int(ptr_hessian[_b])
        ND = int(na[_b]) * 3
        _numel = ND ** 2
        _end = _start + _numel
        hp_b = hessian_pred[_start:_end]
        ht_b = hessian_true[_start:_end]
        loss_b = _mse_lossfn(hessian_pred=hp_b, hessian_true=ht_b, N=int(na[_b]))
        losses.append(loss_b)
    return jnp.mean(jnp.stack(losses))

if __name__ == "__main__":
    import jax
    _d = setup_inputs()
    print(jax.jit(kernel)(*tuple(_d.values())))

</pallas_src>

<mosaic_0001>
#map = affine_map<(d0, d1) -> (0)>
#map1 = affine_map<(d0, d1) -> (0, 0)>
module attributes {stable_mosaic.version = 14 : i64} {
  func.func @_sc_body(%arg0: i32, %arg1: i32, %arg2: memref<11427840xf32, #tpu.memory_space<hbm>>, %arg3: memref<11427840xf32, #tpu.memory_space<hbm>>, %arg4: memref<80640xf32, #tpu.memory_space<hbm>>, %arg5: memref<32x16xf32, #tpu.memory_space<hbm>>, %arg6: memref<4608xf32, #tpu.memory_space<vmem>>, %arg7: memref<4608xf32, #tpu.memory_space<vmem>>, %arg8: memref<4608xf32, #tpu.memory_space<vmem>>, %arg9: memref<4608xf32, #tpu.memory_space<vmem>>, %arg10: memref<4608xf32, #tpu.memory_space<vmem>>, %arg11: memref<4608xf32, #tpu.memory_space<vmem>>, %arg12: memref<4608xf32, #tpu.memory_space<vmem>>, %arg13: memref<4608xf32, #tpu.memory_space<vmem>>, %arg14: memref<1280xf32, #tpu.memory_space<vmem>>, %arg15: memref<16xf32, #tpu.memory_space<vmem>>, %arg16: memref<!tpu.dma_semaphore, #tpu.memory_space<semaphore_mem>>, %arg17: memref<!tpu.dma_semaphore, #tpu.memory_space<semaphore_mem>>, %arg18: memref<!tpu.dma_semaphore, #tpu.memory_space<semaphore_mem>>, %arg19: memref<!tpu.dma_semaphore, #tpu.memory_space<semaphore_mem>>, %arg20: memref<!tpu.dma_semaphore, #tpu.memory_space<semaphore_mem>>, %arg21: memref<!tpu.dma_semaphore, #tpu.memory_space<semaphore_mem>>, %arg22: memref<!tpu.dma_semaphore, #tpu.memory_space<semaphore_mem>>, %arg23: memref<!tpu.dma_semaphore, #tpu.memory_space<semaphore_mem>>) attributes {dimension_semantics = [#tpu.dimension_semantics<core_parallel>, #tpu.dimension_semantics<subcore_parallel>], iteration_bounds = array<i64: 2, 16>, scalar_prefetch = 0 : i64, scratch_operands = 18 : i64, tpu.core_type = #tpu.core_type<sc_vector_subcore>, window_params = [{transform_indices = #map}, {transform_indices = #map}, {transform_indices = #map}, {transform_indices = #map1}]} {
    %mul3A = arith.constant 2 : i32
    %mul3A_0 = arith.muli %arg1, %mul3A : i32
    %add3A = arith.addi %mul3A_0, %arg0 : i32
    %mul3A_1 = arith.constant 40 : i32
    %mul3A_2 = arith.muli %add3A, %mul3A_1 : i32
    %mul3A_3 = arith.constant 2 : i32
    %mul3A_4 = arith.muli %mul3A_2, %mul3A_3 : i32
    %add3A_5 = arith.constant 2480 : i32
    %add3A_6 = arith.addi %add3A_5, %mul3A_4 : i32
    %mul3A_7 = arith.constant 16 : i32
    %mul3A_8 = arith.muli %add3A_6, %mul3A_7 : i32
    "tpu.region"() ({
      %run_scoped3A = tpu.sem_alloc : memref<!tpu.dma_semaphore, #tpu.memory_space<semaphore_mem>>
      %dma_start3A_64 = tpu.memref_slice %arg4[%mul3A_8] : memref<80640xf32, #tpu.memory_space<hbm>> -> memref<1280xf32, #tpu.memory_space<hbm>>
      %dma_start3A_65 = tpu.memref_slice %arg4[%mul3A_8] : memref<80640xf32, #tpu.memory_space<hbm>> -> memref<1280xf32, #tpu.memory_space<hbm>>
      tpu.enqueue_dma source(%dma_start3A_65 : memref<1280xf32, #tpu.memory_space<hbm>>) target(%arg14 : memref<1280xf32, #tpu.memory_space<vmem>>) target_semaphore(%run_scoped3A : memref<!tpu.dma_semaphore, #tpu.memory_space<semaphore_mem>>)
      %dma_wait3A = tpu.memref_slice %arg4[%mul3A_8] : memref<80640xf32, #tpu.memory_space<hbm>> -> memref<1280xf32, #tpu.memory_space<hbm>>
      %dma_wait3A_66 = tpu.memref_slice %arg4[%mul3A_8] : memref<80640xf32, #tpu.memory_space<hbm>> -> memref<1280xf32, #tpu.memory_space<hbm>>
      tpu.wait_dma2 semaphore(%run_scoped3A : memref<!tpu.dma_semaphore, #tpu.memory_space<semaphore_mem>>) src(%dma_wait3A_66 : memref<1280xf32, #tpu.memory_space<hbm>>) dst(%arg14 : memref<1280xf32, #tpu.memory_space<vmem>>)
      tpu.yield
    }) : () -> ()
    %add3A_9 = arith.constant 0 : i32
    %add3A_10 = arith.addi %mul3A_2, %add3A_9 : i32
    %min3A = arith.constant 1239 : i32
    %min3A_11 = arith.minsi %add3A_10, %min3A : i32
    %mul3A_12 = arith.constant 4608 : i32
    %mul3A_13 = arith.muli %min3A_11, %mul3A_12 : i32
    %add3A_14 = arith.constant 5713920 : i32
    %add3A_15 = arith.addi %add3A_14, %mul3A_13 : i32
    %dma_start3A = tpu.memref_slice %arg2[%add3A_15] : memref<11427840xf32, #tpu.memory_space<hbm>> -> memref<4608xf32, #tpu.memory_space<hbm>>
    %dma_start3A_16 = tpu.memref_slice %arg2[%add3A_15] : memref<11427840xf32, #tpu.memory_space<hbm>> -> memref<4608xf32, #tpu.memory_space<hbm>>
    tpu.enqueue_dma source(%dma_start3A_16 : memref<4608xf32, #tpu.memory_space<hbm>>) target(%arg6 : memref<4608xf32, #tpu.memory_space<vmem>>) target_semaphore(%arg16 : memref<!tpu.dma_semaphore, #tpu.memory_space<semaphore_mem>>)
    %dma_start3A_17 = tpu.memref_slice %arg3[%add3A_15] : memref<11427840xf32, #tpu.memory_space<hbm>> -> memref<4608xf32, #tpu.memory_space<hbm>>
    %dma_start3A_18 = tpu.memref_slice %arg3[%add3A_15] : memref<11427840xf32, #tpu.memory_space<hbm>> -> memref<4608xf32, #tpu.memory_space<hbm>>
    tpu.enqueue_dma source(%dma_start3A_18 : memref<4608xf32, #tpu.memory_space<hbm>>) target(%arg10 : memref<4608xf32, #tpu.memory_space<vmem>>) target_semaphore(%arg20 : memref<!tpu.dma_semaphore, #tpu.memory_space<semaphore_mem>>)
    %add3A_19 = arith.constant 1 : i32
    %add3A_20 = arith.addi %mul3A_2, %add3A_19 : i32
    %min3A_21 = arith.constant 1239 : i32
    %min3A_22 = arith.minsi %add3A_20, %min3A_21 : i32
    %mul3A_23 = arith.constant 4608 : i32
    %mul3A_24 = arith.muli %min3A_22, %mul3A_23 : i32
    %add3A_25 = arith.constant 5713920 : i32
    %add3A_26 = arith.addi %add3A_25, %mul3A_24 : i32
    %dma_start3A_27 = tpu.memref_slice %arg2[%add3A_26] : memref<11427840xf32, #tpu.memory_space<hbm>> -> memref<4608xf32, #tpu.memory_space<hbm>>
    %dma_start3A_28 = tpu.memref_slice %arg2[%add3A_26] : memref<11427840xf32, #tpu.memory_space<hbm>> -> memref<4608xf32, #tpu.memory_space<hbm>>
    tpu.enqueue_dma source(%dma_start3A_28 : memref<4608xf32, #tpu.memory_space<hbm>>) target(%arg7 : memref<4608xf32, #tpu.memory_space<vmem>>) target_semaphore(%arg17 : memref<!tpu.dma_semaphore, #tpu.memory_space<semaphore_mem>>)
    %dma_start3A_29 = tpu.memref_slice %arg3[%add3A_26] : memref<11427840xf32, #tpu.memory_space<hbm>> -> memref<4608xf32, #tpu.memory_space<hbm>>
    %dma_start3A_30 = tpu.memref_slice %arg3[%add3A_26] : memref<11427840xf32, #tpu.memory_space<hbm>> -> memref<4608xf32, #tpu.memory_space<hbm>>
    tpu.enqueue_dma source(%dma_start3A_30 : memref<4608xf32, #tpu.memory_space<hbm>>) target(%arg11 : memref<4608xf32, #tpu.memory_space<vmem>>) target_semaphore(%arg21 : memref<!tpu.dma_semaphore, #tpu.memory_space<semaphore_mem>>)
    %add3A_31 = arith.constant 2 : i32
    %add3A_32 = arith.addi %mul3A_2, %add3A_31 : i32
    %min3A_33 = arith.constant 1239 : i32
    %min3A_34 = arith.minsi %add3A_32, %min3A_33 : i32
    %mul3A_35 = arith.constant 4608 : i32
    %mul3A_36 = arith.muli %min3A_34, %mul3A_35 : i32
    %add3A_37 = arith.constant 5713920 : i32
    %add3A_38 = arith.addi %add3A_37, %mul3A_36 : i32
    %dma_start3A_39 = tpu.memref_slice %arg2[%add3A_38] : memref<11427840xf32, #tpu.memory_space<hbm>> -> memref<4608xf32, #tpu.memory_space<hbm>>
    %dma_start3A_40 = tpu.memref_slice %arg2[%add3A_38] : memref<11427840xf32, #tpu.memory_space<hbm>> -> memref<4608xf32, #tpu.memory_space<hbm>>
    tpu.enqueue_dma source(%dma_start3A_40 : memref<4608xf32, #tpu.memory_space<hbm>>) target(%arg8 : memref<4608xf32, #tpu.memory_space<vmem>>) target_semaphore(%arg18 : memref<!tpu.dma_semaphore, #tpu.memory_space<semaphore_mem>>)
    %dma_start3A_41 = tpu.memref_slice %arg3[%add3A_38] : memref<11427840xf32, #tpu.memory_space<hbm>> -> memref<4608xf32, #tpu.memory_space<hbm>>
    %dma_start3A_42 = tpu.memref_slice %arg3[%add3A_38] : memref<11427840xf32, #tpu.memory_space<hbm>> -> memref<4608xf32, #tpu.memory_space<hbm>>
    tpu.enqueue_dma source(%dma_start3A_42 : memref<4608xf32, #tpu.memory_space<hbm>>) target(%arg12 : memref<4608xf32, #tpu.memory_space<vmem>>) target_semaphore(%arg22 : memref<!tpu.dma_semaphore, #tpu.memory_space<semaphore_mem>>)
    %add3A_43 = arith.constant 3 : i32
    %add3A_44 = arith.addi %mul3A_2, %add3A_43 : i32
    %min3A_45 = arith.constant 1239 : i32
    %min3A_46 = arith.minsi %add3A_44, %min3A_45 : i32
    %mul3A_47 = arith.constant 4608 : i32
    %mul3A_48 = arith.muli %min3A_46, %mul3A_47 : i32
    %add3A_49 = arith.constant 5713920 : i32
    %add3A_50 = arith.addi %add3A_49, %mul3A_48 : i32
    %dma_start3A_51 = tpu.memref_slice %arg2[%add3A_50] : memref<11427840xf32, #tpu.memory_space<hbm>> -> memref<4608xf32, #tpu.memory_space<hbm>>
    %dma_start3A_52 = tpu.memref_slice %arg2[%add3A_50] : memref<11427840xf32, #tpu.memory_space<hbm>> -> memref<4608xf32, #tpu.memory_space<hbm>>
    tpu.enqueue_dma source(%dma_start3A_52 : memref<4608xf32, #tpu.memory_space<hbm>>) target(%arg9 : memref<4608xf32, #tpu.memory_space<vmem>>) target_semaphore(%arg19 : memref<!tpu.dma_semaphore, #tpu.memory_space<semaphore_mem>>)
    %dma_start3A_53 = tpu.memref_slice %arg3[%add3A_50] : memref<11427840xf32, #tpu.memory_space<hbm>> -> memref<4608xf32, #tpu.memory_space<hbm>>
    %dma_start3A_54 = tpu.memref_slice %arg3[%add3A_50] : memref<11427840xf32, #tpu.memory_space<hbm>> -> memref<4608xf32, #tpu.memory_space<hbm>>
    tpu.enqueue_dma source(%dma_start3A_54 : memref<4608xf32, #tpu.memory_space<hbm>>) target(%arg13 : memref<4608xf32, #tpu.memory_space<vmem>>) target_semaphore(%arg23 : memref<!tpu.dma_semaphore, #tpu.memory_space<semaphore_mem>>)
    %broadcast_in_dim3A = arith.constant 0.000000e+00 : f32
    %broadcast_in_dim3A_55 = vector.broadcast %broadcast_in_dim3A : f32 to vector<16xf32>
    %scan3A = arith.constant 0 : i32
    %scan3A_56 = arith.constant 10 : i32
    %scan3A_57 = arith.addi %scan3A, %scan3A_56 : i32
    %scan3A_58 = arith.constant 1 : i32
    %scan3A_59 = scf.for %scan3A_64 = %scan3A to %scan3A_57 step %scan3A_58 iter_args(%scan3A_65 = %broadcast_in_dim3A_55) -> (vector<16xf32>)  : i32 {
      %mul3A_66 = arith.constant 4 : i32
      %mul3A_67 = arith.muli %mul3A_66, %scan3A_64 : i32
      %add3A_68 = arith.constant 0 : i32
      %add3A_69 = arith.addi %mul3A_67, %add3A_68 : i32
      %add3A_70 = arith.addi %mul3A_2, %add3A_69 : i32
      %min3A_71 = arith.constant 1239 : i32
      %min3A_72 = arith.minsi %add3A_70, %min3A_71 : i32
      %mul3A_73 = arith.constant 4608 : i32
      %mul3A_74 = arith.muli %min3A_72, %mul3A_73 : i32
      %add3A_75 = arith.constant 5713920 : i32
      %add3A_76 = arith.addi %add3A_75, %mul3A_74 : i32
      %dma_wait3A = tpu.memref_slice %arg2[%add3A_76] : memref<11427840xf32, #tpu.memory_space<hbm>> -> memref<4608xf32, #tpu.memory_space<hbm>>
      %dma_wait3A_77 = tpu.memref_slice %arg2[%add3A_76] : memref<11427840xf32, #tpu.memory_space<hbm>> -> memref<4608xf32, #tpu.memory_space<hbm>>
      tpu.wait_dma2 semaphore(%arg16 : memref<!tpu.dma_semaphore, #tpu.memory_space<semaphore_mem>>) src(%dma_wait3A_77 : memref<4608xf32, #tpu.memory_space<hbm>>) dst(%arg6 : memref<4608xf32, #tpu.memory_space<vmem>>)
      %dma_wait3A_78 = tpu.memref_slice %arg3[%add3A_76] : memref<11427840xf32, #tpu.memory_space<hbm>> -> memref<4608xf32, #tpu.memory_space<hbm>>
      %dma_wait3A_79 = tpu.memref_slice %arg3[%add3A_76] : memref<11427840xf32, #tpu.memory_space<hbm>> -> memref<4608xf32, #tpu.memory_space<hbm>>
      tpu.wait_dma2 semaphore(%arg20 : memref<!tpu.dma_semaphore, #tpu.memory_space<semaphore_mem>>) src(%dma_wait3A_79 : memref<4608xf32, #tpu.memory_space<hbm>>) dst(%arg10 : memref<4608xf32, #tpu.memory_space<vmem>>)
      %broadcast_in_dim3A_80 = arith.constant 0.000000e+00 : f32
      %broadcast_in_dim3A_81 = vector.broadcast %broadcast_in_dim3A_80 : f32 to vector<16xf32>
      %scan3A_82 = arith.constant 0 : i32
      %scan3A_83 = arith.constant 18 : i32
      %scan3A_84 = arith.addi %scan3A_82, %scan3A_83 : i32
      %scan3A_85 = arith.constant 1 : i32
      %scan3A_86:2 = scf.for %scan3A_301 = %scan3A_82 to %scan3A_84 step %scan3A_85 iter_args(%scan3A_302 = %broadcast_in_dim3A_81, %scan3A_303 = %broadcast_in_dim3A_81) -> (vector<16xf32>, vector<16xf32>)  : i32 {
        %mul3A_304 = arith.constant 128 : i32
        %mul3A_305 = arith.muli %scan3A_301, %mul3A_304 : i32
        %add3A_306 = arith.constant 0 : i32
        %add3A_307 = arith.addi %add3A_306, %mul3A_305 : i32
        %add3A_308 = arith.constant 0 : i32
        %add3A_309 = arith.addi %add3A_307, %add3A_308 : i32
        %get3A_310 = arith.index_cast %add3A_309 : i32 to index
        %get3A_311 = tpu.vector_load %arg6[%get3A_310] {strides = array<i32>} : memref<4608xf32, #tpu.memory_space<vmem>>, vector<16xf32>,
        %get3A_312 = vector.shape_cast %get3A_311 : vector<16xf32> to vector<16xf32>
        %get3A_313 = arith.index_cast %add3A_309 : i32 to index
        %get3A_314 = tpu.vector_load %arg10[%get3A_313] {strides = array<i32>} : memref<4608xf32, #tpu.memory_space<vmem>>, vector<16xf32>,
        %get3A_315 = vector.shape_cast %get3A_314 : vector<16xf32> to vector<16xf32>
        %sub3A = arith.subf %get3A_312, %get3A_315 : vector<16xf32>
        %mul3A_316 = arith.mulf %sub3A, %sub3A : vector<16xf32>
        %add3A_317 = arith.addf %scan3A_302, %mul3A_316 : vector<16xf32>
        %add3A_318 = arith.constant 16 : i32
        %add3A_319 = arith.addi %add3A_307, %add3A_318 : i32
        %get3A_320 = arith.index_cast %add3A_319 : i32 to index
        %get3A_321 = tpu.vector_load %arg6[%get3A_320] {strides = array<i32>} : memref<4608xf32, #tpu.memory_space<vmem>>, vector<16xf32>,
        %get3A_322 = vector.shape_cast %get3A_321 : vector<16xf32> to vector<16xf32>
        %get3A_323 = arith.index_cast %add3A_319 : i32 to index
        %get3A_324 = tpu.vector_load %arg10[%get3A_323] {strides = array<i32>} : memref<4608xf32, #tpu.memory_space<vmem>>, vector<16xf32>,
        %get3A_325 = vector.shape_cast %get3A_324 : vector<16xf32> to vector<16xf32>
        %sub3A_326 = arith.subf %get3A_322, %get3A_325 : vector<16xf32>
        %mul3A_327 = arith.mulf %sub3A_326, %sub3A_326 : vector<16xf32>
        %add3A_328 = arith.addf %scan3A_303, %mul3A_327 : vector<16xf32>
        %add3A_329 = arith.constant 32 : i32
        %add3A_330 = arith.addi %add3A_307, %add3A_329 : i32
        %get3A_331 = arith.index_cast %add3A_330 : i32 to index
        %get3A_332 = tpu.vector_load %arg6[%get3A_331] {strides = array<i32>} : memref<4608xf32, #tpu.memory_space<vmem>>, vector<16xf32>,
        %get3A_333 = vector.shape_cast %get3A_332 : vector<16xf32> to vector<16xf32>
        %get3A_334 = arith.index_cast %add3A_330 : i32 to index
        %get3A_335 = tpu.vector_load %arg10[%get3A_334] {strides = array<i32>} : memref<4608xf32, #tpu.memory_space<vmem>>, vector<16xf32>,
        %get3A_336 = vector.shape_cast %get3A_335 : vector<16xf32> to vector<16xf32>
        %sub3A_337 = arith.subf %get3A_333, %get3A_336 : vector<16xf32>
        %mul3A_338 = arith.mulf %sub3A_337, %sub3A_337 : vector<16xf32>
        %add3A_339 = arith.addf %add3A_317, %mul3A_338 : vector<16xf32>
        %add3A_340 = arith.constant 48 : i32
        %add3A_341 = arith.addi %add3A_307, %add3A_340 : i32
        %get3A_342 = arith.index_cast %add3A_341 : i32 to index
        %get3A_343 = tpu.vector_load %arg6[%get3A_342] {strides = array<i32>} : memref<4608xf32, #tpu.memory_space<vmem>>, vector<16xf32>,
        %get3A_344 = vector.shape_cast %get3A_343 : vector<16xf32> to vector<16xf32>
        %get3A_345 = arith.index_cast %add3A_341 : i32 to index
        %get3A_346 = tpu.vector_load %arg10[%get3A_345] {strides = array<i32>} : memref<4608xf32, #tpu.memory_space<vmem>>, vector<16xf32>,
        %get3A_347 = vector.shape_cast %get3A_346 : vector<16xf32> to vector<16xf32>
        %sub3A_348 = arith.subf %get3A_344, %get3A_347 : vector<16xf32>
        %mul3A_349 = arith.mulf %sub3A_348, %sub3A_348 : vector<16xf32>
        %add3A_350 = arith.addf %add3A_328, %mul3A_349 : vector<16xf32>
        %add3A_351 = arith.constant 64 : i32
        %add3A_352 = arith.addi %add3A_307, %add3A_351 : i32
        %get3A_353 = arith.index_cast %add3A_352 : i32 to index
        %get3A_354 = tpu.vector_load %arg6[%get3A_353] {strides = array<i32>} : memref<4608xf32, #tpu.memory_space<vmem>>, vector<16xf32>,
        %get3A_355 = vector.shape_cast %get3A_354 : vector<16xf32> to vector<16xf32>
        %get3A_356 = arith.index_cast %add3A_352 : i32 to index
        %get3A_357 = tpu.vector_load %arg10[%get3A_356] {strides = array<i32>} : memref<4608xf32, #tpu.memory_space<vmem>>, vector<16xf32>,
        %get3A_358 = vector.shape_cast %get3A_357 : vector<16xf32> to vector<16xf32>
        %sub3A_359 = arith.subf %get3A_355, %get3A_358 : vector<16xf32>
        %mul3A_360 = arith.mulf %sub3A_359, %sub3A_359 : vector<16xf32>
        %add3A_361 = arith.addf %add3A_339, %mul3A_360 : vector<16xf32>
        %add3A_362 = arith.constant 80 : i32
        %add3A_363 = arith.addi %add3A_307, %add3A_362 : i32
        %get3A_364 = arith.index_cast %add3A_363 : i32 to index
        %get3A_365 = tpu.vector_load %arg6[%get3A_364] {strides = array<i32>} : memref<4608xf32, #tpu.memory_space<vmem>>, vector<16xf32>,
        %get3A_366 = vector.shape_cast %get3A_365 : vector<16xf32> to vector<16xf32>
        %get3A_367 = arith.index_cast %add3A_363 : i32 to index
        %get3A_368 = tpu.vector_load %arg10[%get3A_367] {strides = array<i32>} : memref<4608xf32, #tpu.memory_space<vmem>>, vector<16xf32>,
        %get3A_369 = vector.shape_cast %get3A_368 : vector<16xf32> to vector<16xf32>
        %sub3A_370 = arith.subf %get3A_366, %get3A_369 : vector<16xf32>
        %mul3A_371 = arith.mulf %sub3A_370, %sub3A_370 : vector<16xf32>
        %add3A_372 = arith.addf %add3A_350, %mul3A_371 : vector<16xf32>
        %add3A_373 = arith.constant 96 : i32
        %add3A_374 = arith.addi %add3A_307, %add3A_373 : i32
        %get3A_375 = arith.index_cast %add3A_374 : i32 to index
        %get3A_376 = tpu.vector_load %arg6[%get3A_375] {strides = array<i32>} : memref<4608xf32, #tpu.memory_space<vmem>>, vector<16xf32>,
        %get3A_377 = vector.shape_cast %get3A_376 : vector<16xf32> to vector<16xf32>
        %get3A_378 = arith.index_cast %add3A_374 : i32 to index
        %get3A_379 = tpu.vector_load %arg10[%get3A_378] {strides = array<i32>} : memref<4608xf32, #tpu.memory_space<vmem>>, vector<16xf32>,
        %get3A_380 = vector.shape_cast %get3A_379 : vector<16xf32> to vector<16xf32>
        %sub3A_381 = arith.subf %get3A_377, %get3A_380 : vector<16xf32>
        %mul3A_382 = arith.mulf %sub3A_381, %sub3A_381 : vector<16xf32>
        %add3A_383 = arith.addf %add3A_361, %mul3A_382 : vector<16xf32>
        %add3A_384 = arith.constant 112 : i32
        %add3A_385 = arith.addi %add3A_307, %add3A_384 : i32
        %get3A_386 = arith.index_cast %add3A_385 : i32 to index
        %get3A_387 = tpu.vector_load %arg6[%get3A_386] {strides = array<i32>} : memref<4608xf32, #tpu.memory_space<vmem>>, vector<16xf32>,
        %get3A_388 = vector.shape_cast %get3A_387 : vector<16xf32> to vector<16xf32>
        %get3A_389 = arith.index_cast %add3A_385 : i32 to index
        %get3A_390 = tpu.vector_load %arg10[%get3A_389] {strides = array<i32>} : memref<4608xf32, #tpu.memory_space<vmem>>, vector<16xf32>,
        %get3A_391 = vector.shape_cast %get3A_390 : vector<16xf32> to vector<16xf32>
        %sub3A_392 = arith.subf %get3A_388, %get3A_391 : vector<16xf32>
        %mul3A_393 = arith.mulf %sub3A_392, %sub3A_392 : vector<16xf32>
        %add3A_394 = arith.addf %add3A_372, %mul3A_393 : vector<16xf32>
        scf.yield %add3A_383, %add3A_394 : vector<16xf32>, vector<16xf32>
      }
      %scan3A_87 = arith.constant 18 : i32
      %mul3A_88 = arith.constant 2 : i32
      %mul3A_89 = arith.muli %add3A_69, %mul3A_88 : i32
      %add3A_90 = arith.constant 0 : i32
      %add3A_91 = arith.addi %mul3A_89, %add3A_90 : i32
      %mul3A_92 = arith.constant 16 : i32
      %mul3A_93 = arith.muli %add3A_91, %mul3A_92 : i32
      %get3A = arith.index_cast %mul3A_93 : i32 to index
      %get3A_94 = tpu.vector_load %arg14[%get3A] {strides = array<i32>} : memref<1280xf32, #tpu.memory_space<vmem>>, vector<16xf32>,
      %get3A_95 = vector.shape_cast %get3A_94 : vector<16xf32> to vector<16xf32>
      %add3A_96 = arith.addf %scan3A_86#0, %scan3A_86#1 : vector<16xf32>
      %mul3A_97 = arith.mulf %add3A_96, %get3A_95 : vector<16xf32>
      %add3A_98 = arith.addf %scan3A_65, %mul3A_97 : vector<16xf32>
      %broadcast_in_dim3A_99 = arith.constant 0.000000e+00 : f32
      %broadcast_in_dim3A_100 = vector.broadcast %broadcast_in_dim3A_99 : f32 to vector<16xf32>
      %scan3A_101 = arith.constant 0 : i32
      %scan3A_102 = arith.constant 18 : i32
      %scan3A_103 = arith.addi %scan3A_101, %scan3A_102 : i32
      %scan3A_104 = arith.constant 1 : i32
      %scan3A_105:2 = scf.for %scan3A_301 = %scan3A_101 to %scan3A_103 step %scan3A_104 iter_args(%scan3A_302 = %broadcast_in_dim3A_100, %scan3A_303 = %broadcast_in_dim3A_100) -> (vector<16xf32>, vector<16xf32>)  : i32 {
        %mul3A_304 = arith.constant 128 : i32
        %mul3A_305 = arith.muli %scan3A_301, %mul3A_304 : i32
        %add3A_306 = arith.constant 2304 : i32
        %add3A_307 = arith.addi %add3A_306, %mul3A_305 : i32
        %add3A_308 = arith.constant 0 : i32
        %add3A_309 = arith.addi %add3A_307, %add3A_308 : i32
        %get3A_310 = arith.index_cast %add3A_309 : i32 to index
        %get3A_311 = tpu.vector_load %arg6[%get3A_310] {strides = array<i32>} : memref<4608xf32, #tpu.memory_space<vmem>>, vector<16xf32>,
        %get3A_312 = vector.shape_cast %get3A_311 : vector<16xf32> to vector<16xf32>
        %get3A_313 = arith.index_cast %add3A_309 : i32 to index
        %get3A_314 = tpu.vector_load %arg10[%get3A_313] {strides = array<i32>} : memref<4608xf32, #tpu.memory_space<vmem>>, vector<16xf32>,
        %get3A_315 = vector.shape_cast %get3A_314 : vector<16xf32> to vector<16xf32>
        %sub3A = arith.subf %get3A_312, %get3A_315 : vector<16xf32>
        %mul3A_316 = arith.mulf %sub3A, %sub3A : vector<16xf32>
        %add3A_317 = arith.addf %scan3A_302, %mul3A_316 : vector<16xf32>
        %add3A_318 = arith.constant 16 : i32
        %add3A_319 = arith.addi %add3A_307, %add3A_318 : i32
        %get3A_320 = arith.index_cast %add3A_319 : i32 to index
        %get3A_321 = tpu.vector_load %arg6[%get3A_320] {strides = array<i32>} : memref<4608xf32, #tpu.memory_space<vmem>>, vector<16xf32>,
        %get3A_322 = vector.shape_cast %get3A_321 : vector<16xf32> to vector<16xf32>
        %get3A_323 = arith.index_cast %add3A_319 : i32 to index
        %get3A_324 = tpu.vector_load %arg10[%get3A_323] {strides = array<i32>} : memref<4608xf32, #tpu.memory_space<vmem>>, vector<16xf32>,
        %get3A_325 = vector.shape_cast %get3A_324 : vector<16xf32> to vector<16xf32>
        %sub3A_326 = arith.subf %get3A_322, %get3A_325 : vector<16xf32>
        %mul3A_327 = arith.mulf %sub3A_326, %sub3A_326 : vector<16xf32>
        %add3A_328 = arith.addf %scan3A_303, %mul3A_327 : vector<16xf32>
        %add3A_329 = arith.constant 32 : i32
        %add3A_330 = arith.addi %add3A_307, %add3A_329 : i32
        %get3A_331 = arith.index_cast %add3A_330 : i32 to index
        %get3A_332 = tpu.vector_load %arg6[%get3A_331] {strides = array<i32>} : memref<4608xf32, #tpu.memory_space<vmem>>, vector<16xf32>,
        %get3A_333 = vector.shape_cast %get3A_332 : vector<16xf32> to vector<16xf32>
        %get3A_334 = arith.index_cast %add3A_330 : i32 to index
        %get3A_335 = tpu.vector_load %arg10[%get3A_334] {strides = array<i32>} : memref<4608xf32, #tpu.memory_space<vmem>>, vector<16xf32>,
        %get3A_336 = vector.shape_cast %get3A_335 : vector<16xf32> to vector<16xf32>
        %sub3A_337 = arith.subf %get3A_333, %get3A_336 : vector<16xf32>
        %mul3A_338 = arith.mulf %sub3A_337, %sub3A_337 : vector<16xf32>
        %add3A_339 = arith.addf %add3A_317, %mul3A_338 : vector<16xf32>
        %add3A_340 = arith.constant 48 : i32
        %add3A_341 = arith.addi %add3A_307, %add3A_340 : i32
        %get3A_342 = arith.index_cast %add3A_341 : i32 to index
        %get3A_343 = tpu.vector_load %arg6[%get3A_342] {strides = array<i32>} : memref<4608xf32, #tpu.memory_space<vmem>>, vector<16xf32>,
        %get3A_344 = vector.shape_cast %get3A_343 : vector<16xf32> to vector<16xf32>
        %get3A_345 = arith.index_cast %add3A_341 : i32 to index
        %get3A_346 = tpu.vector_load %arg10[%get3A_345] {strides = array<i32>} : memref<4608xf32, #tpu.memory_space<vmem>>, vector<16xf32>,
        %get3A_347 = vector.shape_cast %get3A_346 : vector<16xf32> to vector<16xf32>
        %sub3A_348 = arith.subf %get3A_344, %get3A_347 : vector<16xf32>
        %mul3A_349 = arith.mulf %sub3A_348, %sub3A_348 : vector<16xf32>
        %add3A_350 = arith.addf %add3A_328, %mul3A_349 : vector<16xf32>
        %add3A_351 = arith.constant 64 : i32
        %add3A_352 = arith.addi %add3A_307, %add3A_351 : i32
        %get3A_353 = arith.index_cast %add3A_352 : i32 to index
        %get3A_354 = tpu.vector_load %arg6[%get3A_353] {strides = array<i32>} : memref<4608xf32, #tpu.memory_space<vmem>>, vector<16xf32>,
        %get3A_355 = vector.shape_cast %get3A_354 : vector<16xf32> to vector<16xf32>
        %get3A_356 = arith.index_cast %add3A_352 : i32 to index
        %get3A_357 = tpu.vector_load %arg10[%get3A_356] {strides = array<i32>} : memref<4608xf32, #tpu.memory_space<vmem>>, vector<16xf32>,
        %get3A_358 = vector.shape_cast %get3A_357 : vector<16xf32> to vector<16xf32>
        %sub3A_359 = arith.subf %get3A_355, %get3A_358 : vector<16xf32>
        %mul3A_360 = arith.mulf %sub3A_359, %sub3A_359 : vector<16xf32>
        %add3A_361 = arith.addf %add3A_339, %mul3A_360 : vector<16xf32>
        %add3A_362 = arith.constant 80 : i32
        %add3A_363 = arith.addi %add3A_307, %add3A_362 : i32
        %get3A_364 = arith.index_cast %add3A_363 : i32 to index
        %get3A_365 = tpu.vector_load %arg6[%get3A_364] {strides = array<i32>} : memref<4608xf32, #tpu.memory_space<vmem>>, vector<16xf32>,
        %get3A_366 = vector.shape_cast %get3A_365 : vector<16xf32> to vector<16xf32>
        %get3A_367 = arith.index_cast %add3A_363 : i32 to index
        %get3A_368 = tpu.vector_load %arg10[%get3A_367] {strides = array<i32>} : memref<4608xf32, #tpu.memory_space<vmem>>, vector<16xf32>,
        %get3A_369 = vector.shape_cast %get3A_368 : vector<16xf32> to vector<16xf32>
        %sub3A_370 = arith.subf %get3A_366, %get3A_369 : vector<16xf32>
        %mul3A_371 = arith.mulf %sub3A_370, %sub3A_370 : vector<16xf32>
        %add3A_372 = arith.addf %add3A_350, %mul3A_371 : vector<16xf32>
        %add3A_373 = arith.constant 96 : i32
        %add3A_374 = arith.addi %add3A_307, %add3A_373 : i32
        %get3A_375 = arith.index_cast %add3A_374 : i32 to index
        %get3A_376 = tpu.vector_load %arg6[%get3A_375] {strides = array<i32>} : memref<4608xf32, #tpu.memory_space<vmem>>, vector<16xf32>,
        %get3A_377 = vector.shape_cast %get3A_376 : vector<16xf32> to vector<16xf32>
        %get3A_378 = arith.index_cast %add3A_374 : i32 to index
        %get3A_379 = tpu.vector_load %arg10[%get3A_378] {strides = array<i32>} : memref<4608xf32, #tpu.memory_space<vmem>>, vector<16xf32>,
        %get3A_380 = vector.shape_cast %get3A_379 : vector<16xf32> to vector<16xf32>
        %sub3A_381 = arith.subf %get3A_377, %get3A_380 : vector<16xf32>
        %mul3A_382 = arith.mulf %sub3A_381, %sub3A_381 : vector<16xf32>
        %add3A_383 = arith.addf %add3A_361, %mul3A_382 : vector<16xf32>
        %add3A_384 = arith.constant 112 : i32
        %add3A_385 = arith.addi %add3A_307, %add3A_384 : i32
        %get3A_386 = arith.index_cast %add3A_385 : i32 to index
        %get3A_387 = tpu.vector_load %arg6[%get3A_386] {strides = array<i32>} : memref<4608xf32, #tpu.memory_space<vmem>>, vector<16xf32>,
        %get3A_388 = vector.shape_cast %get3A_387 : vector<16xf32> to vector<16xf32>
        %get3A_389 = arith.index_cast %add3A_385 : i32 to index
        %get3A_390 = tpu.vector_load %arg10[%get3A_389] {strides = array<i32>} : memref<4608xf32, #tpu.memory_space<vmem>>, vector<16xf32>,
        %get3A_391 = vector.shape_cast %get3A_390 : vector<16xf32> to vector<16xf32>
        %sub3A_392 = arith.subf %get3A_388, %get3A_391 : vector<16xf32>
        %mul3A_393 = arith.mulf %sub3A_392, %sub3A_392 : vector<16xf32>
        %add3A_394 = arith.addf %add3A_372, %mul3A_393 : vector<16xf32>
        scf.yield %add3A_383, %add3A_394 : vector<16xf32>, vector<16xf32>
      }
      %scan3A_106 = arith.constant 18 : i32
      %mul3A_107 = arith.constant 2 : i32
      %mul3A_108 = arith.muli %add3A_69, %mul3A_107 : i32
      %add3A_109 = arith.constant 1 : i32
      %add3A_110 = arith.addi %mul3A_108, %add3A_109 : i32
      %mul3A_111 = arith.constant 16 : i32
      %mul3A_112 = arith.muli %add3A_110, %mul3A_111 : i32
      %get3A_113 = arith.index_cast %mul3A_112 : i32 to index
      %get3A_114 = tpu.vector_load %arg14[%get3A_113] {strides = array<i32>} : memref<1280xf32, #tpu.memory_space<vmem>>, vector<16xf32>,
      %get3A_115 = vector.shape_cast %get3A_114 : vector<16xf32> to vector<16xf32>
      %add3A_116 = arith.addf %scan3A_105#0, %scan3A_105#1 : vector<16xf32>
      %mul3A_117 = arith.mulf %add3A_116, %get3A_115 : vector<16xf32>
      %add3A_118 = arith.addf %add3A_98, %mul3A_117 : vector<16xf32>
      %lt3A = arith.constant 9 : i32
      %lt3A_119 = arith.cmpi slt, %scan3A_64, %lt3A : i32
      %convert_element_type3A = arith.extui %lt3A_119 : i1 to i32
      %cond3A = arith.constant 0 : i32
      %cond3A_120 = arith.cmpi ne, %convert_element_type3A, %cond3A : i32
      scf.if %cond3A_120 {
        %add3A_301 = arith.constant 4 : i32
        %add3A_302 = arith.addi %add3A_69, %add3A_301 : i32
        %add3A_303 = arith.addi %mul3A_2, %add3A_302 : i32
        %min3A_304 = arith.constant 1239 : i32
        %min3A_305 = arith.minsi %add3A_303, %min3A_304 : i32
        %mul3A_306 = arith.constant 4608 : i32
        %mul3A_307 = arith.muli %min3A_305, %mul3A_306 : i32
        %add3A_308 = arith.constant 5713920 : i32
        %add3A_309 = arith.addi %add3A_308, %mul3A_307 : i32
        %dma_start3A_310 = tpu.memref_slice %arg2[%add3A_309] : memref<11427840xf32, #tpu.memory_space<hbm>> -> memref<4608xf32, #tpu.memory_space<hbm>>
        %dma_start3A_311 = tpu.memref_slice %arg2[%add3A_309] : memref<11427840xf32, #tpu.memory_space<hbm>> -> memref<4608xf32, #tpu.memory_space<hbm>>
        tpu.enqueue_dma source(%dma_start3A_311 : memref<4608xf32, #tpu.memory_space<hbm>>) target(%arg6 : memref<4608xf32, #tpu.memory_space<vmem>>) target_semaphore(%arg16 : memref<!tpu.dma_semaphore, #tpu.memory_space<semaphore_mem>>)
        %dma_start3A_312 = tpu.memref_slice %arg3[%add3A_309] : memref<11427840xf32, #tpu.memory_space<hbm>> -> memref<4608xf32, #tpu.memory_space<hbm>>
        %dma_start3A_313 = tpu.memref_slice %arg3[%add3A_309] : memref<11427840xf32, #tpu.memory_space<hbm>> -> memref<4608xf32, #tpu.memory_space<hbm>>
        tpu.enqueue_dma source(%dma_start3A_313 : memref<4608xf32, #tpu.memory_space<hbm>>) target(%arg10 : memref<4608xf32, #tpu.memory_space<vmem>>) target_semaphore(%arg20 : memref<!tpu.dma_semaphore, #tpu.memory_space<semaphore_mem>>)
      } else {
      }
      %mul3A_121 = arith.constant 4 : i32
      %mul3A_122 = arith.muli %mul3A_121, %scan3A_64 : i32
      %add3A_123 = arith.constant 1 : i32
      %add3A_124 = arith.addi %mul3A_122, %add3A_123 : i32
      %add3A_125 = arith.addi %mul3A_2, %add3A_124 : i32
      %min3A_126 = arith.constant 1239 : i32
      %min3A_127 = arith.minsi %add3A_125, %min3A_126 : i32
      %mul3A_128 = arith.constant 4608 : i32
      %mul3A_129 = arith.muli %min3A_127, %mul3A_128 : i32
      %add3A_130 = arith.constant 5713920 : i32
      %add3A_131 = arith.addi %add3A_130, %mul3A_129 : i32
      %dma_wait3A_132 = tpu.memref_slice %arg2[%add3A_131] : memref<11427840xf32, #tpu.memory_space<hbm>> -> memref<4608xf32, #tpu.memory_space<hbm>>
      %dma_wait3A_133 = tpu.memref_slice %arg2[%add3A_131] : memref<11427840xf32, #tpu.memory_space<hbm>> -> memref<4608xf32, #tpu.memory_space<hbm>>
      tpu.wait_dma2 semaphore(%arg17 : memref<!tpu.dma_semaphore, #tpu.memory_space<semaphore_mem>>) src(%dma_wait3A_133 : memref<4608xf32, #tpu.memory_space<hbm>>) dst(%arg7 : memref<4608xf32, #tpu.memory_space<vmem>>)
      %dma_wait3A_134 = tpu.memref_slice %arg3[%add3A_131] : memref<11427840xf32, #tpu.memory_space<hbm>> -> memref<4608xf32, #tpu.memory_space<hbm>>
      %dma_wait3A_135 = tpu.memref_slice %arg3[%add3A_131] : memref<11427840xf32, #tpu.memory_space<hbm>> -> memref<4608xf32, #tpu.memory_space<hbm>>
      tpu.wait_dma2 semaphore(%arg21 : memref<!tpu.dma_semaphore, #tpu.memory_space<semaphore_mem>>) src(%dma_wait3A_135 : memref<4608xf32, #tpu.memory_space<hbm>>) dst(%arg11 : memref<4608xf32, #tpu.memory_space<vmem>>)
      %broadcast_in_dim3A_136 = arith.constant 0.000000e+00 : f32
      %broadcast_in_dim3A_137 = vector.broadcast %broadcast_in_dim3A_136 : f32 to vector<16xf32>
      %scan3A_138 = arith.constant 0 : i32
      %scan3A_139 = arith.constant 18 : i32
      %scan3A_140 = arith.addi %scan3A_138, %scan3A_139 : i32
      %scan3A_141 = arith.constant 1 : i32
      %scan3A_142:2 = scf.for %scan3A_301 = %scan3A_138 to %scan3A_140 step %scan3A_141 iter_args(%scan3A_302 = %broadcast_in_dim3A_137, %scan3A_303 = %broadcast_in_dim3A_137) -> (vector<16xf32>, vector<16xf32>)  : i32 {
        %mul3A_304 = arith.constant 128 : i32
        %mul3A_305 = arith.muli %scan3A_301, %mul3A_304 : i32
        %add3A_306 = arith.constant 0 : i32
        %add3A_307 = arith.addi %add3A_306, %mul3A_305 : i32
        %add3A_308 = arith.constant 0 : i32
        %add3A_309 = arith.addi %add3A_307, %add3A_308 : i32
        %get3A_310 = arith.index_cast %add3A_309 : i32 to index
        %get3A_311 = tpu.vector_load %arg7[%get3A_310] {strides = array<i32>} : memref<4608xf32, #tpu.memory_space<vmem>>, vector<16xf32>,
        %get3A_312 = vector.shape_cast %get3A_311 : vector<16xf32> to vector<16xf32>
        %get3A_313 = arith.index_cast %add3A_309 : i32 to index
        %get3A_314 = tpu.vector_load %arg11[%get3A_313] {strides = array<i32>} : memref<4608xf32, #tpu.memory_space<vmem>>, vector<16xf32>,
        %get3A_315 = vector.shape_cast %get3A_314 : vector<16xf32> to vector<16xf32>
        %sub3A = arith.subf %get3A_312, %get3A_315 : vector<16xf32>
        %mul3A_316 = arith.mulf %sub3A, %sub3A : vector<16xf32>
        %add3A_317 = arith.addf %scan3A_302, %mul3A_316 : vector<16xf32>
        %add3A_318 = arith.constant 16 : i32
        %add3A_319 = arith.addi %add3A_307, %add3A_318 : i32
        %get3A_320 = arith.index_cast %add3A_319 : i32 to index
        %get3A_321 = tpu.vector_load %arg7[%get3A_320] {strides = array<i32>} : memref<4608xf32, #tpu.memory_space<vmem>>, vector<16xf32>,
        %get3A_322 = vector.shape_cast %get3A_321 : vector<16xf32> to vector<16xf32>
        %get3A_323 = arith.index_cast %add3A_319 : i32 to index
        %get3A_324 = tpu.vector_load %arg11[%get3A_323] {strides = array<i32>} : memref<4608xf32, #tpu.memory_space<vmem>>, vector<16xf32>,
        %get3A_325 = vector.shape_cast %get3A_324 : vector<16xf32> to vector<16xf32>
        %sub3A_326 = arith.subf %get3A_322, %get3A_325 : vector<16xf32>
        %mul3A_327 = arith.mulf %sub3A_326, %sub3A_326 : vector<16xf32>
        %add3A_328 = arith.addf %scan3A_303, %mul3A_327 : vector<16xf32>
        %add3A_329 = arith.constant 32 : i32
        %add3A_330 = arith.addi %add3A_307, %add3A_329 : i32
        %get3A_331 = arith.index_cast %add3A_330 : i32 to index
        %get3A_332 = tpu.vector_load %arg7[%get3A_331] {strides = array<i32>} : memref<4608xf32, #tpu.memory_space<vmem>>, vector<16xf32>,
        %get3A_333 = vector.shape_cast %get3A_332 : vector<16xf32> to vector<16xf32>
        %get3A_334 = arith.index_cast %add3A_330 : i32 to index
        %get3A_335 = tpu.vector_load %arg11[%get3A_334] {strides = array<i32>} : memref<4608xf32, #tpu.memory_space<vmem>>, vector<16xf32>,
        %get3A_336 = vector.shape_cast %get3A_335 : vector<16xf32> to vector<16xf32>
        %sub3A_337 = arith.subf %get3A_333, %get3A_336 : vector<16xf32>
        %mul3A_338 = arith.mulf %sub3A_337, %sub3A_337 : vector<16xf32>
        %add3A_339 = arith.addf %add3A_317, %mul3A_338 : vector<16xf32>
        %add3A_340 = arith.constant 48 : i32
        %add3A_341 = arith.addi %add3A_307, %add3A_340 : i32
        %get3A_342 = arith.index_cast %add3A_341 : i32 to index
        %get3A_343 = tpu.vector_load %arg7[%get3A_342] {strides = array<i32>} : memref<4608xf32, #tpu.memory_space<vmem>>, vector<16xf32>,
        %get3A_344 = vector.shape_cast %get3A_343 : vector<16xf32> to vector<16xf32>
        %get3A_345 = arith.index_cast %add3A_341 : i32 to index
        %get3A_346 = tpu.vector_load %arg11[%get3A_345] {strides = array<i32>} : memref<4608xf32, #tpu.memory_space<vmem>>, vector<16xf32>,
        %get3A_347 = vector.shape_cast %get3A_346 : vector<16xf32> to vector<16xf32>
        %sub3A_348 = arith.subf %get3A_344, %get3A_347 : vector<16xf32>
        %mul3A_349 = arith.mulf %sub3A_348, %sub3A_348 : vector<16xf32>
        %add3A_350 = arith.addf %add3A_328, %mul3A_349 : vector<16xf32>
        %add3A_351 = arith.constant 64 : i32
        %add3A_352 = arith.addi %add3A_307, %add3A_351 : i32
        %get3A_353 = arith.index_cast %add3A_352 : i32 to index
        %get3A_354 = tpu.vector_load %arg7[%get3A_353] {strides = array<i32>} : memref<4608xf32, #tpu.memory_space<vmem>>, vector<16xf32>,
        %get3A_355 = vector.shape_cast %get3A_354 : vector<16xf32> to vector<16xf32>
        %get3A_356 = arith.index_cast %add3A_352 : i32 to index
        %get3A_357 = tpu.vector_load %arg11[%get3A_356] {strides = array<i32>} : memref<4608xf32, #tpu.memory_space<vmem>>, vector<16xf32>,
        %get3A_358 = vector.shape_cast %get3A_357 : vector<16xf32> to vector<16xf32>
        %sub3A_359 = arith.subf %get3A_355, %get3A_358 : vector<16xf32>
        %mul3A_360 = arith.mulf %sub3A_359, %sub3A_359 : vector<16xf32>
        %add3A_361 = arith.addf %add3A_339, %mul3A_360 : vector<16xf32>
        %add3A_362 = arith.constant 80 : i32
        %add3A_363 = arith.addi %add3A_307, %add3A_362 : i32
        %get3A_364 = arith.index_cast %add3A_363 : i32 to index
        %get3A_365 = tpu.vector_load %arg7[%get3A_364] {strides = array<i32>} : memref<4608xf32, #tpu.memory_space<vmem>>, vector<16xf32>,
        %get3A_366 = vector.shape_cast %get3A_365 : vector<16xf32> to vector<16xf32>
        %get3A_367 = arith.index_cast %add3A_363 : i32 to index
        %get3A_368 = tpu.vector_load %arg11[%get3A_367] {strides = array<i32>} : memref<4608xf32, #tpu.memory_space<vmem>>, vector<16xf32>,
        %get3A_369 = vector.shape_cast %get3A_368 : vector<16xf32> to vector<16xf32>
        %sub3A_370 = arith.subf %get3A_366, %get3A_369 : vector<16xf32>
        %mul3A_371 = arith.mulf %sub3A_370, %sub3A_370 : vector<16xf32>
        %add3A_372 = arith.addf %add3A_350, %mul3A_371 : vector<16xf32>
        %add3A_373 = arith.constant 96 : i32
        %add3A_374 = arith.addi %add3A_307, %add3A_373 : i32
        %get3A_375 = arith.index_cast %add3A_374 : i32 to index
        %get3A_376 = tpu.vector_load %arg7[%get3A_375] {strides = array<i32>} : memref<4608xf32, #tpu.memory_space<vmem>>, vector<16xf32>,
        %get3A_377 = vector.shape_cast %get3A_376 : vector<16xf32> to vector<16xf32>
        %get3A_378 = arith.index_cast %add3A_374 : i32 to index
        %get3A_379 = tpu.vector_load %arg11[%get3A_378] {strides = array<i32>} : memref<4608xf32, #tpu.memory_space<vmem>>, vector<16xf32>,
        %get3A_380 = vector.shape_cast %get3A_379 : vector<16xf32> to vector<16xf32>
        %sub3A_381 = arith.subf %get3A_377, %get3A_380 : vector<16xf32>
        %mul3A_382 = arith.mulf %sub3A_381, %sub3A_381 : vector<16xf32>
        %add3A_383 = arith.addf %add3A_361, %mul3A_382 : vector<16xf32>
        %add3A_384 = arith.constant 112 : i32
        %add3A_385 = arith.addi %add3A_307, %add3A_384 : i32
        %get3A_386 = arith.index_cast %add3A_385 : i32 to index
        %get3A_387 = tpu.vector_load %arg7[%get3A_386] {strides = array<i32>} : memref<4608xf32, #tpu.memory_space<vmem>>, vector<16xf32>,
        %get3A_388 = vector.shape_cast %get3A_387 : vector<16xf32> to vector<16xf32>
        %get3A_389 = arith.index_cast %add3A_385 : i32 to index
        %get3A_390 = tpu.vector_load %arg11[%get3A_389] {strides = array<i32>} : memref<4608xf32, #tpu.memory_space<vmem>>, vector<16xf32>,
        %get3A_391 = vector.shape_cast %get3A_390 : vector<16xf32> to vector<16xf32>
        %sub3A_392 = arith.subf %get3A_388, %get3A_391 : vector<16xf32>
        %mul3A_393 = arith.mulf %sub3A_392, %sub3A_392 : vector<16xf32>
        %add3A_394 = arith.addf %add3A_372, %mul3A_393 : vector<16xf32>
        scf.yield %add3A_383, %add3A_394 : vector<16xf32>, vector<16xf32>
      }
      %scan3A_143 = arith.constant 18 : i32
      %mul3A_144 = arith.constant 2 : i32
      %mul3A_145 = arith.muli %add3A_124, %mul3A_144 : i32
      %add3A_146 = arith.constant 0 : i32
      %add3A_147 = arith.addi %mul3A_145, %add3A_146 : i32
      %mul3A_148 = arith.constant 16 : i32
      %mul3A_149 = arith.muli %add3A_147, %mul3A_148 : i32
      %get3A_150 = arith.index_cast %mul3A_149 : i32 to index
      %get3A_151 = tpu.vector_load %arg14[%get3A_150] {strides = array<i32>} : memref<1280xf32, #tpu.memory_space<vmem>>, vector<16xf32>,
      %get3A_152 = vector.shape_cast %get3A_151 : vector<16xf32> to vector<16xf32>
      %add3A_153 = arith.addf %scan3A_142#0, %scan3A_142#1 : vector<16xf32>
      %mul3A_154 = arith.mulf %add3A_153, %get3A_152 : vector<16xf32>
      %add3A_155 = arith.addf %add3A_118, %mul3A_154 : vector<16xf32>
      %broadcast_in_dim3A_156 = arith.constant 0.000000e+00 : f32
      %broadcast_in_dim3A_157 = vector.broadcast %broadcast_in_dim3A_156 : f32 to vector<16xf32>
      %scan3A_158 = arith.constant 0 : i32
      %scan3A_159 = arith.constant 18 : i32
      %scan3A_160 = arith.addi %scan3A_158, %scan3A_159 : i32
      %scan3A_161 = arith.constant 1 : i32
      %scan3A_162:2 = scf.for %scan3A_301 = %scan3A_158 to %scan3A_160 step %scan3A_161 iter_args(%scan3A_302 = %broadcast_in_dim3A_157, %scan3A_303 = %broadcast_in_dim3A_157) -> (vector<16xf32>, vector<16xf32>)  : i32 {
        %mul3A_304 = arith.constant 128 : i32
        %mul3A_305 = arith.muli %scan3A_301, %mul3A_304 : i32
        %add3A_306 = arith.constant 2304 : i32
        %add3A_307 = arith.addi %add3A_306, %mul3A_305 : i32
        %add3A_308 = arith.constant 0 : i32
        %add3A_309 = arith.addi %add3A_307, %add3A_308 : i32
        %get3A_310 = arith.index_cast %add3A_309 : i32 to index
        %get3A_311 = tpu.vector_load %arg7[%get3A_310] {strides = array<i32>} : memref<4608xf32, #tpu.memory_space<vmem>>, vector<16xf32>,
        %get3A_312 = vector.shape_cast %get3A_311 : vector<16xf32> to vector<16xf32>
        %get3A_313 = arith.index_cast %add3A_309 : i32 to index
        %get3A_314 = tpu.vector_load %arg11[%get3A_313] {strides = array<i32>} : memref<4608xf32, #tpu.memory_space<vmem>>, vector<16xf32>,
        %get3A_315 = vector.shape_cast %get3A_314 : vector<16xf32> to vector<16xf32>
        %sub3A = arith.subf %get3A_312, %get3A_315 : vector<16xf32>
        %mul3A_316 = arith.mulf %sub3A, %sub3A : vector<16xf32>
        %add3A_317 = arith.addf %scan3A_302, %mul3A_316 : vector<16xf32>
        %add3A_318 = arith.constant 16 : i32
        %add3A_319 = arith.addi %add3A_307, %add3A_318 : i32
        %get3A_320 = arith.index_cast %add3A_319 : i32 to index
        %get3A_321 = tpu.vector_load %arg7[%get3A_320] {strides = array<i32>} : memref<4608xf32, #tpu.memory_space<vmem>>, vector<16xf32>,
        %get3A_322 = vector.shape_cast %get3A_321 : vector<16xf32> to vector<16xf32>
        %get3A_323 = arith.index_cast %add3A_319 : i32 to index
        %get3A_324 = tpu.vector_load %arg11[%get3A_323] {strides = array<i32>} : memref<4608xf32, #tpu.memory_space<vmem>>, vector<16xf32>,
        %get3A_325 = vector.shape_cast %get3A_324 : vector<16xf32> to vector<16xf32>
        %sub3A_326 = arith.subf %get3A_322, %get3A_325 : vector<16xf32>
        %mul3A_327 = arith.mulf %sub3A_326, %sub3A_326 : vector<16xf32>
        %add3A_328 = arith.addf %scan3A_303, %mul3A_327 : vector<16xf32>
        %add3A_329 = arith.constant 32 : i32
        %add3A_330 = arith.addi %add3A_307, %add3A_329 : i32
        %get3A_331 = arith.index_cast %add3A_330 : i32 to index
        %get3A_332 = tpu.vector_load %arg7[%get3A_331] {strides = array<i32>} : memref<4608xf32, #tpu.memory_space<vmem>>, vector<16xf32>,
        %get3A_333 = vector.shape_cast %get3A_332 : vector<16xf32> to vector<16xf32>
        %get3A_334 = arith.index_cast %add3A_330 : i32 to index
        %get3A_335 = tpu.vector_load %arg11[%get3A_334] {strides = array<i32>} : memref<4608xf32, #tpu.memory_space<vmem>>, vector<16xf32>,
        %get3A_336 = vector.shape_cast %get3A_335 : vector<16xf32> to vector<16xf32>
        %sub3A_337 = arith.subf %get3A_333, %get3A_336 : vector<16xf32>
        %mul3A_338 = arith.mulf %sub3A_337, %sub3A_337 : vector<16xf32>
        %add3A_339 = arith.addf %add3A_317, %mul3A_338 : vector<16xf32>
        %add3A_340 = arith.constant 48 : i32
        %add3A_341 = arith.addi %add3A_307, %add3A_340 : i32
        %get3A_342 = arith.index_cast %add3A_341 : i32 to index
        %get3A_343 = tpu.vector_load %arg7[%get3A_342] {strides = array<i32>} : memref<4608xf32, #tpu.memory_space<vmem>>, vector<16xf32>,
        %get3A_344 = vector.shape_cast %get3A_343 : vector<16xf32> to vector<16xf32>
        %get3A_345 = arith.index_cast %add3A_341 : i32 to index
        %get3A_346 = tpu.vector_load %arg11[%get3A_345] {strides = array<i32>} : memref<4608xf32, #tpu.memory_space<vmem>>, vector<16xf32>,
        %get3A_347 = vector.shape_cast %get3A_346 : vector<16xf32> to vector<16xf32>
        %sub3A_348 = arith.subf %get3A_344, %get3A_347 : vector<16xf32>
        %mul3A_349 = arith.mulf %sub3A_348, %sub3A_348 : vector<16xf32>
        %add3A_350 = arith.addf %add3A_328, %mul3A_349 : vector<16xf32>
        %add3A_351 = arith.constant 64 : i32
        %add3A_352 = arith.addi %add3A_307, %add3A_351 : i32
        %get3A_353 = arith.index_cast %add3A_352 : i32 to index
        %get3A_354 = tpu.vector_load %arg7[%get3A_353] {strides = array<i32>} : memref<4608xf32, #tpu.memory_space<vmem>>, vector<16xf32>,
        %get3A_355 = vector.shape_cast %get3A_354 : vector<16xf32> to vector<16xf32>
        %get3A_356 = arith.index_cast %add3A_352 : i32 to index
        %get3A_357 = tpu.vector_load %arg11[%get3A_356] {strides = array<i32>} : memref<4608xf32, #tpu.memory_space<vmem>>, vector<16xf32>,
        %get3A_358 = vector.shape_cast %get3A_357 : vector<16xf32> to vector<16xf32>
        %sub3A_359 = arith.subf %get3A_355, %get3A_358 : vector<16xf32>
        %mul3A_360 = arith.mulf %sub3A_359, %sub3A_359 : vector<16xf32>
        %add3A_361 = arith.addf %add3A_339, %mul3A_360 : vector<16xf32>
        %add3A_362 = arith.constant 80 : i32
        %add3A_363 = arith.addi %add3A_307, %add3A_362 : i32
        %get3A_364 = arith.index_cast %add3A_363 : i32 to index
        %get3A_365 = tpu.vector_load %arg7[%get3A_364] {strides = array<i32>} : memref<4608xf32, #tpu.memory_space<vmem>>, vector<16xf32>,
        %get3A_366 = vector.shape_cast %get3A_365 : vector<16xf32> to vector<16xf32>
        %get3A_367 = arith.index_cast %add3A_363 : i32 to index
        %get3A_368 = tpu.vector_load %arg11[%get3A_367] {strides = array<i32>} : memref<4608xf32, #tpu.memory_space<vmem>>, vector<16xf32>,
        %get3A_369 = vector.shape_cast %get3A_368 : vector<16xf32> to vector<16xf32>
        %sub3A_370 = arith.subf %get3A_366, %get3A_369 : vector<16xf32>
        %mul3A_371 = arith.mulf %sub3A_370, %sub3A_370 : vector<16xf32>
        %add3A_372 = arith.addf %add3A_350, %mul3A_371 : vector<16xf32>
        %add3A_373 = arith.constant 96 : i32
        %add3A_374 = arith.addi %add3A_307, %add3A_373 : i32
        %get3A_375 = arith.index_cast %add3A_374 : i32 to index
        %get3A_376 = tpu.vector_load %arg7[%get3A_375] {strides = array<i32>} : memref<4608xf32, #tpu.memory_space<vmem>>, vector<16xf32>,
        %get3A_377 = vector.shape_cast %get3A_376 : vector<16xf32> to vector<16xf32>
        %get3A_378 = arith.index_cast %add3A_374 : i32 to index
        %get3A_379 = tpu.vector_load %arg11[%get3A_378] {strides = array<i32>} : memref<4608xf32, #tpu.memory_space<vmem>>, vector<16xf32>,
        %get3A_380 = vector.shape_cast %get3A_379 : vector<16xf32> to vector<16xf32>
        %sub3A_381 = arith.subf %get3A_377, %get3A_380 : vector<16xf32>
        %mul3A_382 = arith.mulf %sub3A_381, %sub3A_381 : vector<16xf32>
        %add3A_383 = arith.addf %add3A_361, %mul3A_382 : vector<16xf32>
        %add3A_384 = arith.constant 112 : i32
        %add3A_385 = arith.addi %add3A_307, %add3A_384 : i32
        %get3A_386 = arith.index_cast %add3A_385 : i32 to index
        %get3A_387 = tpu.vector_load %arg7[%get3A_386] {strides = array<i32>} : memref<4608xf32, #tpu.memory_space<vmem>>, vector<16xf32>,
        %get3A_388 = vector.shape_cast %get3A_387 : vector<16xf32> to vector<16xf32>
        %get3A_389 = arith.index_cast %add3A_385 : i32 to index
        %get3A_390 = tpu.vector_load %arg11[%get3A_389] {strides = array<i32>} : memref<4608xf32, #tpu.memory_space<vmem>>, vector<16xf32>,
        %get3A_391 = vector.shape_cast %get3A_390 : vector<16xf32> to vector<16xf32>
        %sub3A_392 = arith.subf %get3A_388, %get3A_391 : vector<16xf32>
        %mul3A_393 = arith.mulf %sub3A_392, %sub3A_392 : vector<16xf32>
        %add3A_394 = arith.addf %add3A_372, %mul3A_393 : vector<16xf32>
        scf.yield %add3A_383, %add3A_394 : vector<16xf32>, vector<16xf32>
      }
      %scan3A_163 = arith.constant 18 : i32
      %mul3A_164 = arith.constant 2 : i32
      %mul3A_165 = arith.muli %add3A_124, %mul3A_164 : i32
      %add3A_166 = arith.constant 1 : i32
      %add3A_167 = arith.addi %mul3A_165, %add3A_166 : i32
      %mul3A_168 = arith.constant 16 : i32
      %mul3A_169 = arith.muli %add3A_167, %mul3A_168 : i32
      %get3A_170 = arith.index_cast %mul3A_169 : i32 to index
      %get3A_171 = tpu.vector_load %arg14[%get3A_170] {strides = array<i32>} : memref<1280xf32, #tpu.memory_space<vmem>>, vector<16xf32>,
      %get3A_172 = vector.shape_cast %get3A_171 : vector<16xf32> to vector<16xf32>
      %add3A_173 = arith.addf %scan3A_162#0, %scan3A_162#1 : vector<16xf32>
      %mul3A_174 = arith.mulf %add3A_173, %get3A_172 : vector<16xf32>
      %add3A_175 = arith.addf %add3A_155, %mul3A_174 : vector<16xf32>
      %lt3A_176 = arith.constant 9 : i32
      %lt3A_177 = arith.cmpi slt, %scan3A_64, %lt3A_176 : i32
      %convert_element_type3A_178 = arith.extui %lt3A_177 : i1 to i32
      %cond3A_179 = arith.constant 0 : i32
      %cond3A_180 = arith.cmpi ne, %convert_element_type3A_178, %cond3A_179 : i32
      scf.if %cond3A_180 {
        %add3A_301 = arith.constant 4 : i32
        %add3A_302 = arith.addi %add3A_124, %add3A_301 : i32
        %add3A_303 = arith.addi %mul3A_2, %add3A_302 : i32
        %min3A_304 = arith.constant 1239 : i32
        %min3A_305 = arith.minsi %add3A_303, %min3A_304 : i32
        %mul3A_306 = arith.constant 4608 : i32
        %mul3A_307 = arith.muli %min3A_305, %mul3A_306 : i32
        %add3A_308 = arith.constant 5713920 : i32
        %add3A_309 = arith.addi %add3A_308, %mul3A_307 : i32
        %dma_start3A_310 = tpu.memref_slice %arg2[%add3A_309] : memref<11427840xf32, #tpu.memory_space<hbm>> -> memref<4608xf32, #tpu.memory_space<hbm>>
        %dma_start3A_311 = tpu.memref_slice %arg2[%add3A_309] : memref<11427840xf32, #tpu.memory_space<hbm>> -> memref<4608xf32, #tpu.memory_space<hbm>>
        tpu.enqueue_dma source(%dma_start3A_311 : memref<4608xf32, #tpu.memory_space<hbm>>) target(%arg7 : memref<4608xf32, #tpu.memory_space<vmem>>) target_semaphore(%arg17 : memref<!tpu.dma_semaphore, #tpu.memory_space<semaphore_mem>>)
        %dma_start3A_312 = tpu.memref_slice %arg3[%add3A_309] : memref<11427840xf32, #tpu.memory_space<hbm>> -> memref<4608xf32, #tpu.memory_space<hbm>>
        %dma_start3A_313 = tpu.memref_slice %arg3[%add3A_309] : memref<11427840xf32, #tpu.memory_space<hbm>> -> memref<4608xf32, #tpu.memory_space<hbm>>
        tpu.enqueue_dma source(%dma_start3A_313 : memref<4608xf32, #tpu.memory_space<hbm>>) target(%arg11 : memref<4608xf32, #tpu.memory_space<vmem>>) target_semaphore(%arg21 : memref<!tpu.dma_semaphore, #tpu.memory_space<semaphore_mem>>)
      } else {
      }
      %mul3A_181 = arith.constant 4 : i32
      %mul3A_182 = arith.muli %mul3A_181, %scan3A_64 : i32
      %add3A_183 = arith.constant 2 : i32
      %add3A_184 = arith.addi %mul3A_182, %add3A_183 : i32
      %add3A_185 = arith.addi %mul3A_2, %add3A_184 : i32
      %min3A_186 = arith.constant 1239 : i32
      %min3A_187 = arith.minsi %add3A_185, %min3A_186 : i32
      %mul3A_188 = arith.constant 4608 : i32
      %mul3A_189 = arith.muli %min3A_187, %mul3A_188 : i32
      %add3A_190 = arith.constant 5713920 : i32
      %add3A_191 = arith.addi %add3A_190, %mul3A_189 : i32
      %dma_wait3A_192 = tpu.memref_slice %arg2[%add3A_191] : memref<11427840xf32, #tpu.memory_space<hbm>> -> memref<4608xf32, #tpu.memory_space<hbm>>
      %dma_wait3A_193 = tpu.memref_slice %arg2[%add3A_191] : memref<11427840xf32, #tpu.memory_space<hbm>> -> memref<4608xf32, #tpu.memory_space<hbm>>
      tpu.wait_dma2 semaphore(%arg18 : memref<!tpu.dma_semaphore, #tpu.memory_space<semaphore_mem>>) src(%dma_wait3A_193 : memref<4608xf32, #tpu.memory_space<hbm>>) dst(%arg8 : memref<4608xf32, #tpu.memory_space<vmem>>)
      %dma_wait3A_194 = tpu.memref_slice %arg3[%add3A_191] : memref<11427840xf32, #tpu.memory_space<hbm>> -> memref<4608xf32, #tpu.memory_space<hbm>>
      %dma_wait3A_195 = tpu.memref_slice %arg3[%add3A_191] : memref<11427840xf32, #tpu.memory_space<hbm>> -> memref<4608xf32, #tpu.memory_space<hbm>>
      tpu.wait_dma2 semaphore(%arg22 : memref<!tpu.dma_semaphore, #tpu.memory_space<semaphore_mem>>) src(%dma_wait3A_195 : memref<4608xf32, #tpu.memory_space<hbm>>) dst(%arg12 : memref<4608xf32, #tpu.memory_space<vmem>>)
      %broadcast_in_dim3A_196 = arith.constant 0.000000e+00 : f32
      %broadcast_in_dim3A_197 = vector.broadcast %broadcast_in_dim3A_196 : f32 to vector<16xf32>
      %scan3A_198 = arith.constant 0 : i32
      %scan3A_199 = arith.constant 18 : i32
      %scan3A_200 = arith.addi %scan3A_198, %scan3A_199 : i32
      %scan3A_201 = arith.constant 1 : i32
      %scan3A_202:2 = scf.for %scan3A_301 = %scan3A_198 to %scan3A_200 step %scan3A_201 iter_args(%scan3A_302 = %broadcast_in_dim3A_197, %scan3A_303 = %broadcast_in_dim3A_197) -> (vector<16xf32>, vector<16xf32>)  : i32 {
        %mul3A_304 = arith.constant 128 : i32
        %mul3A_305 = arith.muli %scan3A_301, %mul3A_304 : i32
        %add3A_306 = arith.constant 0 : i32
        %add3A_307 = arith.addi %add3A_306, %mul3A_305 : i32
        %add3A_308 = arith.constant 0 : i32
        %add3A_309 = arith.addi %add3A_307, %add3A_308 : i32
        %get3A_310 = arith.index_cast %add3A_309 : i32 to index
        %get3A_311 = tpu.vector_load %arg8[%get3A_310] {strides = array<i32>} : memref<4608xf32, #tpu.memory_space<vmem>>, vector<16xf32>,
        %get3A_312 = vector.shape_cast %get3A_311 : vector<16xf32> to vector<16xf32>
        %get3A_313 = arith.index_cast %add3A_309 : i32 to index
        %get3A_314 = tpu.vector_load %arg12[%get3A_313] {strides = array<i32>} : memref<4608xf32, #tpu.memory_space<vmem>>, vector<16xf32>,
        %get3A_315 = vector.shape_cast %get3A_314 : vector<16xf32> to vector<16xf32>
        %sub3A = arith.subf %get3A_312, %get3A_315 : vector<16xf32>
        %mul3A_316 = arith.mulf %sub3A, %sub3A : vector<16xf32>
        %add3A_317 = arith.addf %scan3A_302, %mul3A_316 : vector<16xf32>
        %add3A_318 = arith.constant 16 : i32
        %add3A_319 = arith.addi %add3A_307, %add3A_318 : i32
        %get3A_320 = arith.index_cast %add3A_319 : i32 to index
        %get3A_321 = tpu.vector_load %arg8[%get3A_320] {strides = array<i32>} : memref<4608xf32, #tpu.memory_space<vmem>>, vector<16xf32>,
        %get3A_322 = vector.shape_cast %get3A_321 : vector<16xf32> to vector<16xf32>
        %get3A_323 = arith.index_cast %add3A_319 : i32 to index
        %get3A_324 = tpu.vector_load %arg12[%get3A_323] {strides = array<i32>} : memref<4608xf32, #tpu.memory_space<vmem>>, vector<16xf32>,
        %get3A_325 = vector.shape_cast %get3A_324 : vector<16xf32> to vector<16xf32>
        %sub3A_326 = arith.subf %get3A_322, %get3A_325 : vector<16xf32>
        %mul3A_327 = arith.mulf %sub3A_326, %sub3A_326 : vector<16xf32>
        %add3A_328 = arith.addf %scan3A_303, %mul3A_327 : vector<16xf32>
        %add3A_329 = arith.constant 32 : i32
        %add3A_330 = arith.addi %add3A_307, %add3A_329 : i32
        %get3A_331 = arith.index_cast %add3A_330 : i32 to index
        %get3A_332 = tpu.vector_load %arg8[%get3A_331] {strides = array<i32>} : memref<4608xf32, #tpu.memory_space<vmem>>, vector<16xf32>,
        %get3A_333 = vector.shape_cast %get3A_332 : vector<16xf32> to vector<16xf32>
        %get3A_334 = arith.index_cast %add3A_330 : i32 to index
        %get3A_335 = tpu.vector_load %arg12[%get3A_334] {strides = array<i32>} : memref<4608xf32, #tpu.memory_space<vmem>>, vector<16xf32>,
        %get3A_336 = vector.shape_cast %get3A_335 : vector<16xf32> to vector<16xf32>
        %sub3A_337 = arith.subf %get3A_333, %get3A_336 : vector<16xf32>
        %mul3A_338 = arith.mulf %sub3A_337, %sub3A_337 : vector<16xf32>
        %add3A_339 = arith.addf %add3A_317, %mul3A_338 : vector<16xf32>
        %add3A_340 = arith.constant 48 : i32
        %add3A_341 = arith.addi %add3A_307, %add3A_340 : i32
        %get3A_342 = arith.index_cast %add3A_341 : i32 to index
        %get3A_343 = tpu.vector_load %arg8[%get3A_342] {strides = array<i32>} : memref<4608xf32, #tpu.memory_space<vmem>>, vector<16xf32>,
        %get3A_344 = vector.shape_cast %get3A_343 : vector<16xf32> to vector<16xf32>
        %get3A_345 = arith.index_cast %add3A_341 : i32 to index
        %get3A_346 = tpu.vector_load %arg12[%get3A_345] {strides = array<i32>} : memref<4608xf32, #tpu.memory_space<vmem>>, vector<16xf32>,
        %get3A_347 = vector.shape_cast %get3A_346 : vector<16xf32> to vector<16xf32>
        %sub3A_348 = arith.subf %get3A_344, %get3A_347 : vector<16xf32>
        %mul3A_349 = arith.mulf %sub3A_348, %sub3A_348 : vector<16xf32>
        %add3A_350 = arith.addf %add3A_328, %mul3A_349 : vector<16xf32>
        %add3A_351 = arith.constant 64 : i32
        %add3A_352 = arith.addi %add3A_307, %add3A_351 : i32
        %get3A_353 = arith.index_cast %add3A_352 : i32 to index
        %get3A_354 = tpu.vector_load %arg8[%get3A_353] {strides = array<i32>} : memref<4608xf32, #tpu.memory_space<vmem>>, vector<16xf32>,
        %get3A_355 = vector.shape_cast %get3A_354 : vector<16xf32> to vector<16xf32>
        %get3A_356 = arith.index_cast %add3A_352 : i32 to index
        %get3A_357 = tpu.vector_load %arg12[%get3A_356] {strides = array<i32>} : memref<4608xf32, #tpu.memory_space<vmem>>, vector<16xf32>,
        %get3A_358 = vector.shape_cast %get3A_357 : vector<16xf32> to vector<16xf32>
        %sub3A_359 = arith.subf %get3A_355, %get3A_358 : vector<16xf32>
        %mul3A_360 = arith.mulf %sub3A_359, %sub3A_359 : vector<16xf32>
        %add3A_361 = arith.addf %add3A_339, %mul3A_360 : vector<16xf32>
        %add3A_362 = arith.constant 80 : i32
        %add3A_363 = arith.addi %add3A_307, %add3A_362 : i32
        %get3A_364 = arith.index_cast %add3A_363 : i32 to index
        %get3A_365 = tpu.vector_load %arg8[%get3A_364] {strides = array<i32>} : memref<4608xf32, #tpu.memory_space<vmem>>, vector<16xf32>,
        %get3A_366 = vector.shape_cast %get3A_365 : vector<16xf32> to vector<16xf32>
        %get3A_367 = arith.index_cast %add3A_363 : i32 to index
        %get3A_368 = tpu.vector_load %arg12[%get3A_367] {strides = array<i32>} : memref<4608xf32, #tpu.memory_space<vmem>>, vector<16xf32>,
        %get3A_369 = vector.shape_cast %get3A_368 : vector<16xf32> to vector<16xf32>
        %sub3A_370 = arith.subf %get3A_366, %get3A_369 : vector<16xf32>
        %mul3A_371 = arith.mulf %sub3A_370, %sub3A_370 : vector<16xf32>
        %add3A_372 = arith.addf %add3A_350, %mul3A_371 : vector<16xf32>
        %add3A_373 = arith.constant 96 : i32
        %add3A_374 = arith.addi %add3A_307, %add3A_373 : i32
        %get3A_375 = arith.index_cast %add3A_374 : i32 to index
        %get3A_376 = tpu.vector_load %arg8[%get3A_375] {strides = array<i32>} : memref<4608xf32, #tpu.memory_space<vmem>>, vector<16xf32>,
        %get3A_377 = vector.shape_cast %get3A_376 : vector<16xf32> to vector<16xf32>
        %get3A_378 = arith.index_cast %add3A_374 : i32 to index
        %get3A_379 = tpu.vector_load %arg12[%get3A_378] {strides = array<i32>} : memref<4608xf32, #tpu.memory_space<vmem>>, vector<16xf32>,
        %get3A_380 = vector.shape_cast %get3A_379 : vector<16xf32> to vector<16xf32>
        %sub3A_381 = arith.subf %get3A_377, %get3A_380 : vector<16xf32>
        %mul3A_382 = arith.mulf %sub3A_381, %sub3A_381 : vector<16xf32>
        %add3A_383 = arith.addf %add3A_361, %mul3A_382 : vector<16xf32>
        %add3A_384 = arith.constant 112 : i32
        %add3A_385 = arith.addi %add3A_307, %add3A_384 : i32
        %get3A_386 = arith.index_cast %add3A_385 : i32 to index
        %get3A_387 = tpu.vector_load %arg8[%get3A_386] {strides = array<i32>} : memref<4608xf32, #tpu.memory_space<vmem>>, vector<16xf32>,
        %get3A_388 = vector.shape_cast %get3A_387 : vector<16xf32> to vector<16xf32>
        %get3A_389 = arith.index_cast %add3A_385 : i32 to index
        %get3A_390 = tpu.vector_load %arg12[%get3A_389] {strides = array<i32>} : memref<4608xf32, #tpu.memory_space<vmem>>, vector<16xf32>,
        %get3A_391 = vector.shape_cast %get3A_390 : vector<16xf32> to vector<16xf32>
        %sub3A_392 = arith.subf %get3A_388, %get3A_391 : vector<16xf32>
        %mul3A_393 = arith.mulf %sub3A_392, %sub3A_392 : vector<16xf32>
        %add3A_394 = arith.addf %add3A_372, %mul3A_393 : vector<16xf32>
        scf.yield %add3A_383, %add3A_394 : vector<16xf32>, vector<16xf32>
      }
      %scan3A_203 = arith.constant 18 : i32
      %mul3A_204 = arith.constant 2 : i32
      %mul3A_205 = arith.muli %add3A_184, %mul3A_204 : i32
      %add3A_206 = arith.constant 0 : i32
      %add3A_207 = arith.addi %mul3A_205, %add3A_206 : i32
      %mul3A_208 = arith.constant 16 : i32
      %mul3A_209 = arith.muli %add3A_207, %mul3A_208 : i32
      %get3A_210 = arith.index_cast %mul3A_209 : i32 to index
      %get3A_211 = tpu.vector_load %arg14[%get3A_210] {strides = array<i32>} : memref<1280xf32, #tpu.memory_space<vmem>>, vector<16xf32>,
      %get3A_212 = vector.shape_cast %get3A_211 : vector<16xf32> to vector<16xf32>
      %add3A_213 = arith.addf %scan3A_202#0, %scan3A_202#1 : vector<16xf32>
      %mul3A_214 = arith.mulf %add3A_213, %get3A_212 : vector<16xf32>
      %add3A_215 = arith.addf %add3A_175, %mul3A_214 : vector<16xf32>
      %broadcast_in_dim3A_216 = arith.constant 0.000000e+00 : f32
      %broadcast_in_dim3A_217 = vector.broadcast %broadcast_in_dim3A_216 : f32 to vector<16xf32>
      %scan3A_218 = arith.constant 0 : i32
      %scan3A_219 = arith.constant 18 : i32
      %scan3A_220 = arith.addi %scan3A_218, %scan3A_219 : i32
      %scan3A_221 = arith.constant 1 : i32
      %scan3A_222:2 = scf.for %scan3A_301 = %scan3A_218 to %scan3A_220 step %scan3A_221 iter_args(%scan3A_302 = %broadcast_in_dim3A_217, %scan3A_303 = %broadcast_in_dim3A_217) -> (vector<16xf32>, vector<16xf32>)  : i32 {
        %mul3A_304 = arith.constant 128 : i32
        %mul3A_305 = arith.muli %scan3A_301, %mul3A_304 : i32
        %add3A_306 = arith.constant 2304 : i32
        %add3A_307 = arith.addi %add3A_306, %mul3A_305 : i32
        %add3A_308 = arith.constant 0 : i32
        %add3A_309 = arith.addi %add3A_307, %add3A_308 : i32
        %get3A_310 = arith.index_cast %add3A_309 : i32 to index
        %get3A_311 = tpu.vector_load %arg8[%get3A_310] {strides = array<i32>} : memref<4608xf32, #tpu.memory_space<vmem>>, vector<16xf32>,
        %get3A_312 = vector.shape_cast %get3A_311 : vector<16xf32> to vector<16xf32>
        %get3A_313 = arith.index_cast %add3A_309 : i32 to index
        %get3A_314 = tpu.vector_load %arg12[%get3A_313] {strides = array<i32>} : memref<4608xf32, #tpu.memory_space<vmem>>, vector<16xf32>,
        %get3A_315 = vector.shape_cast %get3A_314 : vector<16xf32> to vector<16xf32>
        %sub3A = arith.subf %get3A_312, %get3A_315 : vector<16xf32>
        %mul3A_316 = arith.mulf %sub3A, %sub3A : vector<16xf32>
        %add3A_317 = arith.addf %scan3A_302, %mul3A_316 : vector<16xf32>
        %add3A_318 = arith.constant 16 : i32
        %add3A_319 = arith.addi %add3A_307, %add3A_318 : i32
        %get3A_320 = arith.index_cast %add3A_319 : i32 to index
        %get3A_321 = tpu.vector_load %arg8[%get3A_320] {strides = array<i32>} : memref<4608xf32, #tpu.memory_space<vmem>>, vector<16xf32>,
        %get3A_322 = vector.shape_cast %get3A_321 : vector<16xf32> to vector<16xf32>
        %get3A_323 = arith.index_cast %add3A_319 : i32 to index
        %get3A_324 = tpu.vector_load %arg12[%get3A_323] {strides = array<i32>} : memref<4608xf32, #tpu.memory_space<vmem>>, vector<16xf32>,
        %get3A_325 = vector.shape_cast %get3A_324 : vector<16xf32> to vector<16xf32>
        %sub3A_326 = arith.subf %get3A_322, %get3A_325 : vector<16xf32>
        %mul3A_327 = arith.mulf %sub3A_326, %sub3A_326 : vector<16xf32>
        %add3A_328 = arith.addf %scan3A_303, %mul3A_327 : vector<16xf32>
        %add3A_329 = arith.constant 32 : i32
        %add3A_330 = arith.addi %add3A_307, %add3A_329 : i32
        %get3A_331 = arith.index_cast %add3A_330 : i32 to index
        %get3A_332 = tpu.vector_load %arg8[%get3A_331] {strides = array<i32>} : memref<4608xf32, #tpu.memory_space<vmem>>, vector<16xf32>,
        %get3A_333 = vector.shape_cast %get3A_332 : vector<16xf32> to vector<16xf32>
        %get3A_334 = arith.index_cast %add3A_330 : i32 to index
        %get3A_335 = tpu.vector_load %arg12[%get3A_334] {strides = array<i32>} : memref<4608xf32, #tpu.memory_space<vmem>>, vector<16xf32>,
        %get3A_336 = vector.shape_cast %get3A_335 : vector<16xf32> to vector<16xf32>
        %sub3A_337 = arith.subf %get3A_333, %get3A_336 : vector<16xf32>
        %mul3A_338 = arith.mulf %sub3A_337, %sub3A_337 : vector<16xf32>
        %add3A_339 = arith.addf %add3A_317, %mul3A_338 : vector<16xf32>
        %add3A_340 = arith.constant 48 : i32
        %add3A_341 = arith.addi %add3A_307, %add3A_340 : i32
        %get3A_342 = arith.index_cast %add3A_341 : i32 to index
        %get3A_343 = tpu.vector_load %arg8[%get3A_342] {strides = array<i32>} : memref<4608xf32, #tpu.memory_space<vmem>>, vector<16xf32>,
        %get3A_344 = vector.shape_cast %get3A_343 : vector<16xf32> to vector<16xf32>
        %get3A_345 = arith.index_cast %add3A_341 : i32 to index
        %get3A_346 = tpu.vector_load %arg12[%get3A_345] {strides = array<i32>} : memref<4608xf32, #tpu.memory_space<vmem>>, vector<16xf32>,
        %get3A_347 = vector.shape_cast %get3A_346 : vector<16xf32> to vector<16xf32>
        %sub3A_348 = arith.subf %get3A_344, %get3A_347 : vector<16xf32>
        %mul3A_349 = arith.mulf %sub3A_348, %sub3A_348 : vector<16xf32>
        %add3A_350 = arith.addf %add3A_328, %mul3A_349 : vector<16xf32>
        %add3A_351 = arith.constant 64 : i32
        %add3A_352 = arith.addi %add3A_307, %add3A_351 : i32
        %get3A_353 = arith.index_cast %add3A_352 : i32 to index
        %get3A_354 = tpu.vector_load %arg8[%get3A_353] {strides = array<i32>} : memref<4608xf32, #tpu.memory_space<vmem>>, vector<16xf32>,
        %get3A_355 = vector.shape_cast %get3A_354 : vector<16xf32> to vector<16xf32>
        %get3A_356 = arith.index_cast %add3A_352 : i32 to index
        %get3A_357 = tpu.vector_load %arg12[%get3A_356] {strides = array<i32>} : memref<4608xf32, #tpu.memory_space<vmem>>, vector<16xf32>,
        %get3A_358 = vector.shape_cast %get3A_357 : vector<16xf32> to vector<16xf32>
        %sub3A_359 = arith.subf %get3A_355, %get3A_358 : vector<16xf32>
        %mul3A_360 = arith.mulf %sub3A_359, %sub3A_359 : vector<16xf32>
        %add3A_361 = arith.addf %add3A_339, %mul3A_360 : vector<16xf32>
        %add3A_362 = arith.constant 80 : i32
        %add3A_363 = arith.addi %add3A_307, %add3A_362 : i32
        %get3A_364 = arith.index_cast %add3A_363 : i32 to index
        %get3A_365 = tpu.vector_load %arg8[%get3A_364] {strides = array<i32>} : memref<4608xf32, #tpu.memory_space<vmem>>, vector<16xf32>,
        %get3A_366 = vector.shape_cast %get3A_365 : vector<16xf32> to vector<16xf32>
        %get3A_367 = arith.index_cast %add3A_363 : i32 to index
        %get3A_368 = tpu.vector_load %arg12[%get3A_367] {strides = array<i32>} : memref<4608xf32, #tpu.memory_space<vmem>>, vector<16xf32>,
        %get3A_369 = vector.shape_cast %get3A_368 : vector<16xf32> to vector<16xf32>
        %sub3A_370 = arith.subf %get3A_366, %get3A_369 : vector<16xf32>
        %mul3A_371 = arith.mulf %sub3A_370, %sub3A_370 : vector<16xf32>
        %add3A_372 = arith.addf %add3A_350, %mul3A_371 : vector<16xf32>
        %add3A_373 = arith.constant 96 : i32
        %add3A_374 = arith.addi %add3A_307, %add3A_373 : i32
        %get3A_375 = arith.index_cast %add3A_374 : i32 to index
        %get3A_376 = tpu.vector_load %arg8[%get3A_375] {strides = array<i32>} : memref<4608xf32, #tpu.memory_space<vmem>>, vector<16xf32>,
        %get3A_377 = vector.shape_cast %get3A_376 : vector<16xf32> to vector<16xf32>
        %get3A_378 = arith.index_cast %add3A_374 : i32 to index
        %get3A_379 = tpu.vector_load %arg12[%get3A_378] {strides = array<i32>} : memref<4608xf32, #tpu.memory_space<vmem>>, vector<16xf32>,
        %get3A_380 = vector.shape_cast %get3A_379 : vector<16xf32> to vector<16xf32>
        %sub3A_381 = arith.subf %get3A_377, %get3A_380 : vector<16xf32>
        %mul3A_382 = arith.mulf %sub3A_381, %sub3A_381 : vector<16xf32>
        %add3A_383 = arith.addf %add3A_361, %mul3A_382 : vector<16xf32>
        %add3A_384 = arith.constant 112 : i32
        %add3A_385 = arith.addi %add3A_307, %add3A_384 : i32
        %get3A_386 = arith.index_cast %add3A_385 : i32 to index
        %get3A_387 = tpu.vector_load %arg8[%get3A_386] {strides = array<i32>} : memref<4608xf32, #tpu.memory_space<vmem>>, vector<16xf32>,
        %get3A_388 = vector.shape_cast %get3A_387 : vector<16xf32> to vector<16xf32>
        %get3A_389 = arith.index_cast %add3A_385 : i32 to index
        %get3A_390 = tpu.vector_load %arg12[%get3A_389] {strides = array<i32>} : memref<4608xf32, #tpu.memory_space<vmem>>, vector<16xf32>,
        %get3A_391 = vector.shape_cast %get3A_390 : vector<16xf32> to vector<16xf32>
        %sub3A_392 = arith.subf %get3A_388, %get3A_391 : vector<16xf32>
        %mul3A_393 = arith.mulf %sub3A_392, %sub3A_392 : vector<16xf32>
        %add3A_394 = arith.addf %add3A_372, %mul3A_393 : vector<16xf32>
        scf.yield %add3A_383, %add3A_394 : vector<16xf32>, vector<16xf32>
      }
      %scan3A_223 = arith.constant 18 : i32
      %mul3A_224 = arith.constant 2 : i32
      %mul3A_225 = arith.muli %add3A_184, %mul3A_224 : i32
      %add3A_226 = arith.constant 1 : i32
      %add3A_227 = arith.addi %mul3A_225, %add3A_226 : i32
      %mul3A_228 = arith.constant 16 : i32
      %mul3A_229 = arith.muli %add3A_227, %mul3A_228 : i32
      %get3A_230 = arith.index_cast %mul3A_229 : i32 to index
      %get3A_231 = tpu.vector_load %arg14[%get3A_230] {strides = array<i32>} : memref<1280xf32, #tpu.memory_space<vmem>>, vector<16xf32>,
      %get3A_232 = vector.shape_cast %get3A_231 : vector<16xf32> to vector<16xf32>
      %add3A_233 = arith.addf %scan3A_222#0, %scan3A_222#1 : vector<16xf32>
      %mul3A_234 = arith.mulf %add3A_233, %get3A_232 : vector<16xf32>
      %add3A_235 = arith.addf %add3A_215, %mul3A_234 : vector<16xf32>
      %lt3A_236 = arith.constant 9 : i32
      %lt3A_237 = arith.cmpi slt, %scan3A_64, %lt3A_236 : i32
      %convert_element_type3A_238 = arith.extui %lt3A_237 : i1 to i32
      %cond3A_239 = arith.constant 0 : i32
      %cond3A_240 = arith.cmpi ne, %convert_element_type3A_238, %cond3A_239 : i32
      scf.if %cond3A_240 {
        %add3A_301 = arith.constant 4 : i32
        %add3A_302 = arith.addi %add3A_184, %add3A_301 : i32
        %add3A_303 = arith.addi %mul3A_2, %add3A_302 : i32
        %min3A_304 = arith.constant 1239 : i32
        %min3A_305 = arith.minsi %add3A_303, %min3A_304 : i32
        %mul3A_306 = arith.constant 4608 : i32
        %mul3A_307 = arith.muli %min3A_305, %mul3A_306 : i32
        %add3A_308 = arith.constant 5713920 : i32
        %add3A_309 = arith.addi %add3A_308, %mul3A_307 : i32
        %dma_start3A_310 = tpu.memref_slice %arg2[%add3A_309] : memref<11427840xf32, #tpu.memory_space<hbm>> -> memref<4608xf32, #tpu.memory_space<hbm>>
        %dma_start3A_311 = tpu.memref_slice %arg2[%add3A_309] : memref<11427840xf32, #tpu.memory_space<hbm>> -> memref<4608xf32, #tpu.memory_space<hbm>>
        tpu.enqueue_dma source(%dma_start3A_311 : memref<4608xf32, #tpu.memory_space<hbm>>) target(%arg8 : memref<4608xf32, #tpu.memory_space<vmem>>) target_semaphore(%arg18 : memref<!tpu.dma_semaphore, #tpu.memory_space<semaphore_mem>>)
        %dma_start3A_312 = tpu.memref_slice %arg3[%add3A_309] : memref<11427840xf32, #tpu.memory_space<hbm>> -> memref<4608xf32, #tpu.memory_space<hbm>>
        %dma_start3A_313 = tpu.memref_slice %arg3[%add3A_309] : memref<11427840xf32, #tpu.memory_space<hbm>> -> memref<4608xf32, #tpu.memory_space<hbm>>
        tpu.enqueue_dma source(%dma_start3A_313 : memref<4608xf32, #tpu.memory_space<hbm>>) target(%arg12 : memref<4608xf32, #tpu.memory_space<vmem>>) target_semaphore(%arg22 : memref<!tpu.dma_semaphore, #tpu.memory_space<semaphore_mem>>)
      } else {
      }
      %mul3A_241 = arith.constant 4 : i32
      %mul3A_242 = arith.muli %mul3A_241, %scan3A_64 : i32
      %add3A_243 = arith.constant 3 : i32
      %add3A_244 = arith.addi %mul3A_242, %add3A_243 : i32
      %add3A_245 = arith.addi %mul3A_2, %add3A_244 : i32
      %min3A_246 = arith.constant 1239 : i32
      %min3A_247 = arith.minsi %add3A_245, %min3A_246 : i32
      %mul3A_248 = arith.constant 4608 : i32
      %mul3A_249 = arith.muli %min3A_247, %mul3A_248 : i32
      %add3A_250 = arith.constant 5713920 : i32
      %add3A_251 = arith.addi %add3A_250, %mul3A_249 : i32
      %dma_wait3A_252 = tpu.memref_slice %arg2[%add3A_251] : memref<11427840xf32, #tpu.memory_space<hbm>> -> memref<4608xf32, #tpu.memory_space<hbm>>
      %dma_wait3A_253 = tpu.memref_slice %arg2[%add3A_251] : memref<11427840xf32, #tpu.memory_space<hbm>> -> memref<4608xf32, #tpu.memory_space<hbm>>
      tpu.wait_dma2 semaphore(%arg19 : memref<!tpu.dma_semaphore, #tpu.memory_space<semaphore_mem>>) src(%dma_wait3A_253 : memref<4608xf32, #tpu.memory_space<hbm>>) dst(%arg9 : memref<4608xf32, #tpu.memory_space<vmem>>)
      %dma_wait3A_254 = tpu.memref_slice %arg3[%add3A_251] : memref<11427840xf32, #tpu.memory_space<hbm>> -> memref<4608xf32, #tpu.memory_space<hbm>>
      %dma_wait3A_255 = tpu.memref_slice %arg3[%add3A_251] : memref<11427840xf32, #tpu.memory_space<hbm>> -> memref<4608xf32, #tpu.memory_space<hbm>>
      tpu.wait_dma2 semaphore(%arg23 : memref<!tpu.dma_semaphore, #tpu.memory_space<semaphore_mem>>) src(%dma_wait3A_255 : memref<4608xf32, #tpu.memory_space<hbm>>) dst(%arg13 : memref<4608xf32, #tpu.memory_space<vmem>>)
      %broadcast_in_dim3A_256 = arith.constant 0.000000e+00 : f32
      %broadcast_in_dim3A_257 = vector.broadcast %broadcast_in_dim3A_256 : f32 to vector<16xf32>
      %scan3A_258 = arith.constant 0 : i32
      %scan3A_259 = arith.constant 18 : i32
      %scan3A_260 = arith.addi %scan3A_258, %scan3A_259 : i32
      %scan3A_261 = arith.constant 1 : i32
      %scan3A_262:2 = scf.for %scan3A_301 = %scan3A_258 to %scan3A_260 step %scan3A_261 iter_args(%scan3A_302 = %broadcast_in_dim3A_257, %scan3A_303 = %broadcast_in_dim3A_257) -> (vector<16xf32>, vector<16xf32>)  : i32 {
        %mul3A_304 = arith.constant 128 : i32
        %mul3A_305 = arith.muli %scan3A_301, %mul3A_304 : i32
        %add3A_306 = arith.constant 0 : i32
        %add3A_307 = arith.addi %add3A_306, %mul3A_305 : i32
        %add3A_308 = arith.constant 0 : i32
        %add3A_309 = arith.addi %add3A_307, %add3A_308 : i32
        %get3A_310 = arith.index_cast %add3A_309 : i32 to index
        %get3A_311 = tpu.vector_load %arg9[%get3A_310] {strides = array<i32>} : memref<4608xf32, #tpu.memory_space<vmem>>, vector<16xf32>,
        %get3A_312 = vector.shape_cast %get3A_311 : vector<16xf32> to vector<16xf32>
        %get3A_313 = arith.index_cast %add3A_309 : i32 to index
        %get3A_314 = tpu.vector_load %arg13[%get3A_313] {strides = array<i32>} : memref<4608xf32, #tpu.memory_space<vmem>>, vector<16xf32>,
        %get3A_315 = vector.shape_cast %get3A_314 : vector<16xf32> to vector<16xf32>
        %sub3A = arith.subf %get3A_312, %get3A_315 : vector<16xf32>
        %mul3A_316 = arith.mulf %sub3A, %sub3A : vector<16xf32>
        %add3A_317 = arith.addf %scan3A_302, %mul3A_316 : vector<16xf32>
        %add3A_318 = arith.constant 16 : i32
        %add3A_319 = arith.addi %add3A_307, %add3A_318 : i32
        %get3A_320 = arith.index_cast %add3A_319 : i32 to index
        %get3A_321 = tpu.vector_load %arg9[%get3A_320] {strides = array<i32>} : memref<4608xf32, #tpu.memory_space<vmem>>, vector<16xf32>,
        %get3A_322 = vector.shape_cast %get3A_321 : vector<16xf32> to vector<16xf32>
        %get3A_323 = arith.index_cast %add3A_319 : i32 to index
        %get3A_324 = tpu.vector_load %arg13[%get3A_323] {strides = array<i32>} : memref<4608xf32, #tpu.memory_space<vmem>>, vector<16xf32>,
        %get3A_325 = vector.shape_cast %get3A_324 : vector<16xf32> to vector<16xf32>
        %sub3A_326 = arith.subf %get3A_322, %get3A_325 : vector<16xf32>
        %mul3A_327 = arith.mulf %sub3A_326, %sub3A_326 : vector<16xf32>
        %add3A_328 = arith.addf %scan3A_303, %mul3A_327 : vector<16xf32>
        %add3A_329 = arith.constant 32 : i32
        %add3A_330 = arith.addi %add3A_307, %add3A_329 : i32
        %get3A_331 = arith.index_cast %add3A_330 : i32 to index
        %get3A_332 = tpu.vector_load %arg9[%get3A_331] {strides = array<i32>} : memref<4608xf32, #tpu.memory_space<vmem>>, vector<16xf32>,
        %get3A_333 = vector.shape_cast %get3A_332 : vector<16xf32> to vector<16xf32>
        %get3A_334 = arith.index_cast %add3A_330 : i32 to index
        %get3A_335 = tpu.vector_load %arg13[%get3A_334] {strides = array<i32>} : memref<4608xf32, #tpu.memory_space<vmem>>, vector<16xf32>,
        %get3A_336 = vector.shape_cast %get3A_335 : vector<16xf32> to vector<16xf32>
        %sub3A_337 = arith.subf %get3A_333, %get3A_336 : vector<16xf32>
        %mul3A_338 = arith.mulf %sub3A_337, %sub3A_337 : vector<16xf32>
        %add3A_339 = arith.addf %add3A_317, %mul3A_338 : vector<16xf32>
        %add3A_340 = arith.constant 48 : i32
        %add3A_341 = arith.addi %add3A_307, %add3A_340 : i32
        %get3A_342 = arith.index_cast %add3A_341 : i32 to index
        %get3A_343 = tpu.vector_load %arg9[%get3A_342] {strides = array<i32>} : memref<4608xf32, #tpu.memory_space<vmem>>, vector<16xf32>,
        %get3A_344 = vector.shape_cast %get3A_343 : vector<16xf32> to vector<16xf32>
        %get3A_345 = arith.index_cast %add3A_341 : i32 to index
        %get3A_346 = tpu.vector_load %arg13[%get3A_345] {strides = array<i32>} : memref<4608xf32, #tpu.memory_space<vmem>>, vector<16xf32>,
        %get3A_347 = vector.shape_cast %get3A_346 : vector<16xf32> to vector<16xf32>
        %sub3A_348 = arith.subf %get3A_344, %get3A_347 : vector<16xf32>
        %mul3A_349 = arith.mulf %sub3A_348, %sub3A_348 : vector<16xf32>
        %add3A_350 = arith.addf %add3A_328, %mul3A_349 : vector<16xf32>
        %add3A_351 = arith.constant 64 : i32
        %add3A_352 = arith.addi %add3A_307, %add3A_351 : i32
        %get3A_353 = arith.index_cast %add3A_352 : i32 to index
        %get3A_354 = tpu.vector_load %arg9[%get3A_353] {strides = array<i32>} : memref<4608xf32, #tpu.memory_space<vmem>>, vector<16xf32>,
        %get3A_355 = vector.shape_cast %get3A_354 : vector<16xf32> to vector<16xf32>
        %get3A_356 = arith.index_cast %add3A_352 : i32 to index
        %get3A_357 = tpu.vector_load %arg13[%get3A_356] {strides = array<i32>} : memref<4608xf32, #tpu.memory_space<vmem>>, vector<16xf32>,
        %get3A_358 = vector.shape_cast %get3A_357 : vector<16xf32> to vector<16xf32>
        %sub3A_359 = arith.subf %get3A_355, %get3A_358 : vector<16xf32>
        %mul3A_360 = arith.mulf %sub3A_359, %sub3A_359 : vector<16xf32>
        %add3A_361 = arith.addf %add3A_339, %mul3A_360 : vector<16xf32>
        %add3A_362 = arith.constant 80 : i32
        %add3A_363 = arith.addi %add3A_307, %add3A_362 : i32
        %get3A_364 = arith.index_cast %add3A_363 : i32 to index
        %get3A_365 = tpu.vector_load %arg9[%get3A_364] {strides = array<i32>} : memref<4608xf32, #tpu.memory_space<vmem>>, vector<16xf32>,
        %get3A_366 = vector.shape_cast %get3A_365 : vector<16xf32> to vector<16xf32>
        %get3A_367 = arith.index_cast %add3A_363 : i32 to index
        %get3A_368 = tpu.vector_load %arg13[%get3A_367] {strides = array<i32>} : memref<4608xf32, #tpu.memory_space<vmem>>, vector<16xf32>,
        %get3A_369 = vector.shape_cast %get3A_368 : vector<16xf32> to vector<16xf32>
        %sub3A_370 = arith.subf %get3A_366, %get3A_369 : vector<16xf32>
        %mul3A_371 = arith.mulf %sub3A_370, %sub3A_370 : vector<16xf32>
        %add3A_372 = arith.addf %add3A_350, %mul3A_371 : vector<16xf32>
        %add3A_373 = arith.constant 96 : i32
        %add3A_374 = arith.addi %add3A_307, %add3A_373 : i32
        %get3A_375 = arith.index_cast %add3A_374 : i32 to index
        %get3A_376 = tpu.vector_load %arg9[%get3A_375] {strides = array<i32>} : memref<4608xf32, #tpu.memory_space<vmem>>, vector<16xf32>,
        %get3A_377 = vector.shape_cast %get3A_376 : vector<16xf32> to vector<16xf32>
        %get3A_378 = arith.index_cast %add3A_374 : i32 to index
        %get3A_379 = tpu.vector_load %arg13[%get3A_378] {strides = array<i32>} : memref<4608xf32, #tpu.memory_space<vmem>>, vector<16xf32>,
        %get3A_380 = vector.shape_cast %get3A_379 : vector<16xf32> to vector<16xf32>
        %sub3A_381 = arith.subf %get3A_377, %get3A_380 : vector<16xf32>
        %mul3A_382 = arith.mulf %sub3A_381, %sub3A_381 : vector<16xf32>
        %add3A_383 = arith.addf %add3A_361, %mul3A_382 : vector<16xf32>
        %add3A_384 = arith.constant 112 : i32
        %add3A_385 = arith.addi %add3A_307, %add3A_384 : i32
        %get3A_386 = arith.index_cast %add3A_385 : i32 to index
        %get3A_387 = tpu.vector_load %arg9[%get3A_386] {strides = array<i32>} : memref<4608xf32, #tpu.memory_space<vmem>>, vector<16xf32>,
        %get3A_388 = vector.shape_cast %get3A_387 : vector<16xf32> to vector<16xf32>
        %get3A_389 = arith.index_cast %add3A_385 : i32 to index
        %get3A_390 = tpu.vector_load %arg13[%get3A_389] {strides = array<i32>} : memref<4608xf32, #tpu.memory_space<vmem>>, vector<16xf32>,
        %get3A_391 = vector.shape_cast %get3A_390 : vector<16xf32> to vector<16xf32>
        %sub3A_392 = arith.subf %get3A_388, %get3A_391 : vector<16xf32>
        %mul3A_393 = arith.mulf %sub3A_392, %sub3A_392 : vector<16xf32>
        %add3A_394 = arith.addf %add3A_372, %mul3A_393 : vector<16xf32>
        scf.yield %add3A_383, %add3A_394 : vector<16xf32>, vector<16xf32>
      }
      %scan3A_263 = arith.constant 18 : i32
      %mul3A_264 = arith.constant 2 : i32
      %mul3A_265 = arith.muli %add3A_244, %mul3A_264 : i32
      %add3A_266 = arith.constant 0 : i32
      %add3A_267 = arith.addi %mul3A_265, %add3A_266 : i32
      %mul3A_268 = arith.constant 16 : i32
      %mul3A_269 = arith.muli %add3A_267, %mul3A_268 : i32
      %get3A_270 = arith.index_cast %mul3A_269 : i32 to index
      %get3A_271 = tpu.vector_load %arg14[%get3A_270] {strides = array<i32>} : memref<1280xf32, #tpu.memory_space<vmem>>, vector<16xf32>,
      %get3A_272 = vector.shape_cast %get3A_271 : vector<16xf32> to vector<16xf32>
      %add3A_273 = arith.addf %scan3A_262#0, %scan3A_262#1 : vector<16xf32>
      %mul3A_274 = arith.mulf %add3A_273, %get3A_272 : vector<16xf32>
      %add3A_275 = arith.addf %add3A_235, %mul3A_274 : vector<16xf32>
      %broadcast_in_dim3A_276 = arith.constant 0.000000e+00 : f32
      %broadcast_in_dim3A_277 = vector.broadcast %broadcast_in_dim3A_276 : f32 to vector<16xf32>
      %scan3A_278 = arith.constant 0 : i32
      %scan3A_279 = arith.constant 18 : i32
      %scan3A_280 = arith.addi %scan3A_278, %scan3A_279 : i32
      %scan3A_281 = arith.constant 1 : i32
      %scan3A_282:2 = scf.for %scan3A_301 = %scan3A_278 to %scan3A_280 step %scan3A_281 iter_args(%scan3A_302 = %broadcast_in_dim3A_277, %scan3A_303 = %broadcast_in_dim3A_277) -> (vector<16xf32>, vector<16xf32>)  : i32 {
        %mul3A_304 = arith.constant 128 : i32
        %mul3A_305 = arith.muli %scan3A_301, %mul3A_304 : i32
        %add3A_306 = arith.constant 2304 : i32
        %add3A_307 = arith.addi %add3A_306, %mul3A_305 : i32
        %add3A_308 = arith.constant 0 : i32
        %add3A_309 = arith.addi %add3A_307, %add3A_308 : i32
        %get3A_310 = arith.index_cast %add3A_309 : i32 to index
        %get3A_311 = tpu.vector_load %arg9[%get3A_310] {strides = array<i32>} : memref<4608xf32, #tpu.memory_space<vmem>>, vector<16xf32>,
        %get3A_312 = vector.shape_cast %get3A_311 : vector<16xf32> to vector<16xf32>
        %get3A_313 = arith.index_cast %add3A_309 : i32 to index
        %get3A_314 = tpu.vector_load %arg13[%get3A_313] {strides = array<i32>} : memref<4608xf32, #tpu.memory_space<vmem>>, vector<16xf32>,
        %get3A_315 = vector.shape_cast %get3A_314 : vector<16xf32> to vector<16xf32>
        %sub3A = arith.subf %get3A_312, %get3A_315 : vector<16xf32>
        %mul3A_316 = arith.mulf %sub3A, %sub3A : vector<16xf32>
        %add3A_317 = arith.addf %scan3A_302, %mul3A_316 : vector<16xf32>
        %add3A_318 = arith.constant 16 : i32
        %add3A_319 = arith.addi %add3A_307, %add3A_318 : i32
        %get3A_320 = arith.index_cast %add3A_319 : i32 to index
        %get3A_321 = tpu.vector_load %arg9[%get3A_320] {strides = array<i32>} : memref<4608xf32, #tpu.memory_space<vmem>>, vector<16xf32>,
        %get3A_322 = vector.shape_cast %get3A_321 : vector<16xf32> to vector<16xf32>
        %get3A_323 = arith.index_cast %add3A_319 : i32 to index
        %get3A_324 = tpu.vector_load %arg13[%get3A_323] {strides = array<i32>} : memref<4608xf32, #tpu.memory_space<vmem>>, vector<16xf32>,
        %get3A_325 = vector.shape_cast %get3A_324 : vector<16xf32> to vector<16xf32>
        %sub3A_326 = arith.subf %get3A_322, %get3A_325 : vector<16xf32>
        %mul3A_327 = arith.mulf %sub3A_326, %sub3A_326 : vector<16xf32>
        %add3A_328 = arith.addf %scan3A_303, %mul3A_327 : vector<16xf32>
        %add3A_329 = arith.constant 32 : i32
        %add3A_330 = arith.addi %add3A_307, %add3A_329 : i32
        %get3A_331 = arith.index_cast %add3A_330 : i32 to index
        %get3A_332 = tpu.vector_load %arg9[%get3A_331] {strides = array<i32>} : memref<4608xf32, #tpu.memory_space<vmem>>, vector<16xf32>,
        %get3A_333 = vector.shape_cast %get3A_332 : vector<16xf32> to vector<16xf32>
        %get3A_334 = arith.index_cast %add3A_330 : i32 to index
        %get3A_335 = tpu.vector_load %arg13[%get3A_334] {strides = array<i32>} : memref<4608xf32, #tpu.memory_space<vmem>>, vector<16xf32>,
        %get3A_336 = vector.shape_cast %get3A_335 : vector<16xf32> to vector<16xf32>
        %sub3A_337 = arith.subf %get3A_333, %get3A_336 : vector<16xf32>
        %mul3A_338 = arith.mulf %sub3A_337, %sub3A_337 : vector<16xf32>
        %add3A_339 = arith.addf %add3A_317, %mul3A_338 : vector<16xf32>
        %add3A_340 = arith.constant 48 : i32
        %add3A_341 = arith.addi %add3A_307, %add3A_340 : i32
        %get3A_342 = arith.index_cast %add3A_341 : i32 to index
        %get3A_343 = tpu.vector_load %arg9[%get3A_342] {strides = array<i32>} : memref<4608xf32, #tpu.memory_space<vmem>>, vector<16xf32>,
        %get3A_344 = vector.shape_cast %get3A_343 : vector<16xf32> to vector<16xf32>
        %get3A_345 = arith.index_cast %add3A_341 : i32 to index
        %get3A_346 = tpu.vector_load %arg13[%get3A_345] {strides = array<i32>} : memref<4608xf32, #tpu.memory_space<vmem>>, vector<16xf32>,
        %get3A_347 = vector.shape_cast %get3A_346 : vector<16xf32> to vector<16xf32>
        %sub3A_348 = arith.subf %get3A_344, %get3A_347 : vector<16xf32>
        %mul3A_349 = arith.mulf %sub3A_348, %sub3A_348 : vector<16xf32>
        %add3A_350 = arith.addf %add3A_328, %mul3A_349 : vector<16xf32>
        %add3A_351 = arith.constant 64 : i32
        %add3A_352 = arith.addi %add3A_307, %add3A_351 : i32
        %get3A_353 = arith.index_cast %add3A_352 : i32 to index
        %get3A_354 = tpu.vector_load %arg9[%get3A_353] {strides = array<i32>} : memref<4608xf32, #tpu.memory_space<vmem>>, vector<16xf32>,
        %get3A_355 = vector.shape_cast %get3A_354 : vector<16xf32> to vector<16xf32>
        %get3A_356 = arith.index_cast %add3A_352 : i32 to index
        %get3A_357 = tpu.vector_load %arg13[%get3A_356] {strides = array<i32>} : memref<4608xf32, #tpu.memory_space<vmem>>, vector<16xf32>,
        %get3A_358 = vector.shape_cast %get3A_357 : vector<16xf32> to vector<16xf32>
        %sub3A_359 = arith.subf %get3A_355, %get3A_358 : vector<16xf32>
        %mul3A_360 = arith.mulf %sub3A_359, %sub3A_359 : vector<16xf32>
        %add3A_361 = arith.addf %add3A_339, %mul3A_360 : vector<16xf32>
        %add3A_362 = arith.constant 80 : i32
        %add3A_363 = arith.addi %add3A_307, %add3A_362 : i32
        %get3A_364 = arith.index_cast %add3A_363 : i32 to index
        %get3A_365 = tpu.vector_load %arg9[%get3A_364] {strides = array<i32>} : memref<4608xf32, #tpu.memory_space<vmem>>, vector<16xf32>,
        %get3A_366 = vector.shape_cast %get3A_365 : vector<16xf32> to vector<16xf32>
        %get3A_367 = arith.index_cast %add3A_363 : i32 to index
        %get3A_368 = tpu.vector_load %arg13[%get3A_367] {strides = array<i32>} : memref<4608xf32, #tpu.memory_space<vmem>>, vector<16xf32>,
        %get3A_369 = vector.shape_cast %get3A_368 : vector<16xf32> to vector<16xf32>
        %sub3A_370 = arith.subf %get3A_366, %get3A_369 : vector<16xf32>
        %mul3A_371 = arith.mulf %sub3A_370, %sub3A_370 : vector<16xf32>
        %add3A_372 = arith.addf %add3A_350, %mul3A_371 : vector<16xf32>
        %add3A_373 = arith.constant 96 : i32
        %add3A_374 = arith.addi %add3A_307, %add3A_373 : i32
        %get3A_375 = arith.index_cast %add3A_374 : i32 to index
        %get3A_376 = tpu.vector_load %arg9[%get3A_375] {strides = array<i32>} : memref<4608xf32, #tpu.memory_space<vmem>>, vector<16xf32>,
        %get3A_377 = vector.shape_cast %get3A_376 : vector<16xf32> to vector<16xf32>
        %get3A_378 = arith.index_cast %add3A_374 : i32 to index
        %get3A_379 = tpu.vector_load %arg13[%get3A_378] {strides = array<i32>} : memref<4608xf32, #tpu.memory_space<vmem>>, vector<16xf32>,
        %get3A_380 = vector.shape_cast %get3A_379 : vector<16xf32> to vector<16xf32>
        %sub3A_381 = arith.subf %get3A_377, %get3A_380 : vector<16xf32>
        %mul3A_382 = arith.mulf %sub3A_381, %sub3A_381 : vector<16xf32>
        %add3A_383 = arith.addf %add3A_361, %mul3A_382 : vector<16xf32>
        %add3A_384 = arith.constant 112 : i32
        %add3A_385 = arith.addi %add3A_307, %add3A_384 : i32
        %get3A_386 = arith.index_cast %add3A_385 : i32 to index
        %get3A_387 = tpu.vector_load %arg9[%get3A_386] {strides = array<i32>} : memref<4608xf32, #tpu.memory_space<vmem>>, vector<16xf32>,
        %get3A_388 = vector.shape_cast %get3A_387 : vector<16xf32> to vector<16xf32>
        %get3A_389 = arith.index_cast %add3A_385 : i32 to index
        %get3A_390 = tpu.vector_load %arg13[%get3A_389] {strides = array<i32>} : memref<4608xf32, #tpu.memory_space<vmem>>, vector<16xf32>,
        %get3A_391 = vector.shape_cast %get3A_390 : vector<16xf32> to vector<16xf32>
        %sub3A_392 = arith.subf %get3A_388, %get3A_391 : vector<16xf32>
        %mul3A_393 = arith.mulf %sub3A_392, %sub3A_392 : vector<16xf32>
        %add3A_394 = arith.addf %add3A_372, %mul3A_393 : vector<16xf32>
        scf.yield %add3A_383, %add3A_394 : vector<16xf32>, vector<16xf32>
      }
      %scan3A_283 = arith.constant 18 : i32
      %mul3A_284 = arith.constant 2 : i32
      %mul3A_285 = arith.muli %add3A_244, %mul3A_284 : i32
      %add3A_286 = arith.constant 1 : i32
      %add3A_287 = arith.addi %mul3A_285, %add3A_286 : i32
      %mul3A_288 = arith.constant 16 : i32
      %mul3A_289 = arith.muli %add3A_287, %mul3A_288 : i32
      %get3A_290 = arith.index_cast %mul3A_289 : i32 to index
      %get3A_291 = tpu.vector_load %arg14[%get3A_290] {strides = array<i32>} : memref<1280xf32, #tpu.memory_space<vmem>>, vector<16xf32>,
      %get3A_292 = vector.shape_cast %get3A_291 : vector<16xf32> to vector<16xf32>
      %add3A_293 = arith.addf %scan3A_282#0, %scan3A_282#1 : vector<16xf32>
      %mul3A_294 = arith.mulf %add3A_293, %get3A_292 : vector<16xf32>
      %add3A_295 = arith.addf %add3A_275, %mul3A_294 : vector<16xf32>
      %lt3A_296 = arith.constant 9 : i32
      %lt3A_297 = arith.cmpi slt, %scan3A_64, %lt3A_296 : i32
      %convert_element_type3A_298 = arith.extui %lt3A_297 : i1 to i32
      %cond3A_299 = arith.constant 0 : i32
      %cond3A_300 = arith.cmpi ne, %convert_element_type3A_298, %cond3A_299 : i32
      scf.if %cond3A_300 {
        %add3A_301 = arith.constant 4 : i32
        %add3A_302 = arith.addi %add3A_244, %add3A_301 : i32
        %add3A_303 = arith.addi %mul3A_2, %add3A_302 : i32
        %min3A_304 = arith.constant 1239 : i32
        %min3A_305 = arith.minsi %add3A_303, %min3A_304 : i32
        %mul3A_306 = arith.constant 4608 : i32
        %mul3A_307 = arith.muli %min3A_305, %mul3A_306 : i32
        %add3A_308 = arith.constant 5713920 : i32
        %add3A_309 = arith.addi %add3A_308, %mul3A_307 : i32
        %dma_start3A_310 = tpu.memref_slice %arg2[%add3A_309] : memref<11427840xf32, #tpu.memory_space<hbm>> -> memref<4608xf32, #tpu.memory_space<hbm>>
        %dma_start3A_311 = tpu.memref_slice %arg2[%add3A_309] : memref<11427840xf32, #tpu.memory_space<hbm>> -> memref<4608xf32, #tpu.memory_space<hbm>>
        tpu.enqueue_dma source(%dma_start3A_311 : memref<4608xf32, #tpu.memory_space<hbm>>) target(%arg9 : memref<4608xf32, #tpu.memory_space<vmem>>) target_semaphore(%arg19 : memref<!tpu.dma_semaphore, #tpu.memory_space<semaphore_mem>>)
        %dma_start3A_312 = tpu.memref_slice %arg3[%add3A_309] : memref<11427840xf32, #tpu.memory_space<hbm>> -> memref<4608xf32, #tpu.memory_space<hbm>>
        %dma_start3A_313 = tpu.memref_slice %arg3[%add3A_309] : memref<11427840xf32, #tpu.memory_space<hbm>> -> memref<4608xf32, #tpu.memory_space<hbm>>
        tpu.enqueue_dma source(%dma_start3A_313 : memref<4608xf32, #tpu.memory_space<hbm>>) target(%arg13 : memref<4608xf32, #tpu.memory_space<vmem>>) target_semaphore(%arg23 : memref<!tpu.dma_semaphore, #tpu.memory_space<semaphore_mem>>)
      } else {
      }
      scf.yield %add3A_295 : vector<16xf32>
    }
    %scan3A_60 = arith.constant 10 : i32
    %swap3A = arith.constant 0 : index
    %swap3A_61 = tpu.vector_load %arg15[%swap3A] {strides = array<i32>} : memref<16xf32, #tpu.memory_space<vmem>>, vector<16xf32>,
    %swap3A_62 = vector.shape_cast %swap3A_61 : vector<16xf32> to vector<16xf32>
    %swap3A_63 = vector.shape_cast %scan3A_59 : vector<16xf32> to vector<16xf32>
    tpu.vector_store %arg15[%swap3A], %swap3A_63 {strides = array<i32>} : memref<16xf32, #tpu.memory_space<vmem>>, vector<16xf32>,
    "tpu.region"() ({
      %run_scoped3A = tpu.sem_alloc : memref<!tpu.dma_semaphore, #tpu.memory_space<semaphore_mem>>
      %dma_start3A_64 = arith.constant 0 : i32
      %dma_start3A_65 = tpu.memref_slice %arg5[%add3A, %dma_start3A_64] : memref<32x16xf32, #tpu.memory_space<hbm>> -> memref<1x16xf32, #tpu.memory_space<hbm>>
      %dma_start3A_66 = tpu.memref_squeeze %dma_start3A_65 : memref<1x16xf32, #tpu.memory_space<hbm>> -> memref<16xf32, #tpu.memory_space<hbm>>
      %dma_start3A_67 = arith.constant 0 : i32
      %dma_start3A_68 = tpu.memref_slice %arg5[%add3A, %dma_start3A_67] : memref<32x16xf32, #tpu.memory_space<hbm>> -> memref<1x16xf32, #tpu.memory_space<hbm>>
      %dma_start3A_69 = tpu.memref_squeeze %dma_start3A_68 : memref<1x16xf32, #tpu.memory_space<hbm>> -> memref<16xf32, #tpu.memory_space<hbm>>
      tpu.enqueue_dma source(%arg15 : memref<16xf32, #tpu.memory_space<vmem>>) target(%dma_start3A_69 : memref<16xf32, #tpu.memory_space<hbm>>) target_semaphore(%run_scoped3A : memref<!tpu.dma_semaphore, #tpu.memory_space<semaphore_mem>>)
      %dma_wait3A = arith.constant 0 : i32
      %dma_wait3A_70 = tpu.memref_slice %arg5[%add3A, %dma_wait3A] : memref<32x16xf32, #tpu.memory_space<hbm>> -> memref<1x16xf32, #tpu.memory_space<hbm>>
      %dma_wait3A_71 = tpu.memref_squeeze %dma_wait3A_70 : memref<1x16xf32, #tpu.memory_space<hbm>> -> memref<16xf32, #tpu.memory_space<hbm>>
      %dma_wait3A_72 = arith.constant 0 : i32
      %dma_wait3A_73 = tpu.memref_slice %arg5[%add3A, %dma_wait3A_72] : memref<32x16xf32, #tpu.memory_space<hbm>> -> memref<1x16xf32, #tpu.memory_space<hbm>>
      %dma_wait3A_74 = tpu.memref_squeeze %dma_wait3A_73 : memref<1x16xf32, #tpu.memory_space<hbm>> -> memref<16xf32, #tpu.memory_space<hbm>>
      tpu.wait_dma2 semaphore(%run_scoped3A : memref<!tpu.dma_semaphore, #tpu.memory_space<semaphore_mem>>) src(%arg15 : memref<16xf32, #tpu.memory_space<vmem>>) dst(%dma_wait3A_74 : memref<16xf32, #tpu.memory_space<hbm>>)
      tpu.yield
    }) : () -> ()
    return
  }
}

module attributes {stable_mosaic.version = 14 : i64} {
  func.func @_tc_body(%arg0: i32, %arg1: memref<1x72x128xf32, #tpu.memory_space<vmem>>, %arg2: memref<1x72x128xf32, #tpu.memory_space<vmem>>, %arg3: memref<1x1x1xf32, #tpu.memory_space<smem>>, %arg4: memref<1x1xf32, #tpu.memory_space<smem>>) attributes {dimension_semantics = [#tpu.dimension_semantics<arbitrary>], iteration_bounds = array<i64: 620>, scalar_prefetch = 0 : i64, scratch_operands = 0 : i64, tpu.core_type = #tpu.core_type<tc>, window_params = [{transform_indices = @transform_0, window_bounds = array<i64: 1, 72, 128>}, {transform_indices = @transform_1, window_bounds = array<i64: 1, 72, 128>}, {transform_indices = @transform_2, window_bounds = array<i64: 1, 1, 1>}, {transform_indices = @transform_3, window_bounds = array<i64: 1, 1>}]} {
    %eq3A = arith.constant 0 : i32
    %eq3A_0 = arith.cmpi eq, %arg0, %eq3A : i32
    %convert_element_type3A = arith.extui %eq3A_0 : i1 to i32
    %cond3A = arith.constant 0 : i32
    %cond3A_1 = arith.cmpi ne, %convert_element_type3A, %cond3A : i32
    scf.if %cond3A_1 {
      %swap3A_23 = arith.constant 0.000000e+00 : f32
      %swap3A_24 = arith.constant 0 : index
      %swap3A_25 = arith.constant 0 : index
      %swap3A_26 = memref.load %arg4[%swap3A_24, %swap3A_25] : memref<1x1xf32, #tpu.memory_space<smem>>
      memref.store %swap3A_23, %arg4[%swap3A_24, %swap3A_25] : memref<1x1xf32, #tpu.memory_space<smem>>
    } else {
    }
    %get3A = arith.constant 0 : index
    %get3A_2 = arith.constant 0 : index
    %get3A_3 = arith.constant 0 : index
    %get3A_4 = vector.load %arg1[%get3A, %get3A_2, %get3A_3] : memref<1x72x128xf32, #tpu.memory_space<vmem>>, vector<1x72x128xf32>
    %get3A_5 = arith.constant 0 : index
    %get3A_6 = arith.constant 0 : index
    %get3A_7 = arith.constant 0 : index
    %get3A_8 = vector.load %arg2[%get3A_5, %get3A_6, %get3A_7] : memref<1x72x128xf32, #tpu.memory_space<vmem>>, vector<1x72x128xf32>
    %sub3A = arith.subf %get3A_4, %get3A_8 : vector<1x72x128xf32>
    %get3A_9 = arith.constant 0 : index
    %get3A_10 = arith.constant 0 : index
    %get3A_11 = memref.load %arg4[%get3A_9, %get3A_10] : memref<1x1xf32, #tpu.memory_space<smem>>
    %get3A_12 = arith.constant 0 : index
    %get3A_13 = arith.constant 0 : index
    %get3A_14 = arith.constant 0 : index
    %get3A_15 = memref.load %arg3[%get3A_12, %get3A_13, %get3A_14] : memref<1x1x1xf32, #tpu.memory_space<smem>>
    %mul3A = arith.mulf %sub3A, %sub3A : vector<1x72x128xf32>
    %reduce_sum3A = vector.shape_cast %mul3A : vector<1x72x128xf32> to vector<1x1x72x128xf32>
    %reduce_sum3A_16 = arith.constant dense<0.000000e+00> : vector<1xf32>
    %reduce_sum3A_17 = vector.multi_reduction <add>, %reduce_sum3A, %reduce_sum3A_16 [1, 2, 3] : vector<1x1x72x128xf32> to vector<1xf32>
    %reduce_sum3A_18 = vector.shape_cast %reduce_sum3A_17 : vector<1xf32> to vector<1x1x1x1xf32>
    %reduce_sum3A_19 = vector.extract %reduce_sum3A_18[0, 0, 0, 0] : f32 from vector<1x1x1x1xf32>
    %mul3A_20 = arith.mulf %get3A_15, %reduce_sum3A_19 : f32
    %add3A = arith.addf %get3A_11, %mul3A_20 : f32
    %swap3A = arith.constant 0 : index
    %swap3A_21 = arith.constant 0 : index
    %swap3A_22 = memref.load %arg4[%swap3A, %swap3A_21] : memref<1x1xf32, #tpu.memory_space<smem>>
    memref.store %add3A, %arg4[%swap3A, %swap3A_21] : memref<1x1xf32, #tpu.memory_space<smem>>
    return
  }
  func.func @transform_0(%arg0: i32) -> (i32, i32, i32) {
    %c0_i32 = arith.constant 0 : i32
    %c0_i32_0 = arith.constant 0 : i32
    %c0_i32_1 = arith.constant 0 : i32
    return %arg0, %c0_i32, %c0_i32_0 : i32, i32, i32
  }
  func.func @transform_1(%arg0: i32) -> (i32, i32, i32) {
    %c0_i32 = arith.constant 0 : i32
    %c0_i32_0 = arith.constant 0 : i32
    %c0_i32_1 = arith.constant 0 : i32
    return %arg0, %c0_i32, %c0_i32_0 : i32, i32, i32
  }
  func.func @transform_2(%arg0: i32) -> (i32, i32, i32) {
    %c0_i32 = arith.constant 0 : i32
    %c0_i32_0 = arith.constant 0 : i32
    %c0_i32_1 = arith.constant 0 : i32
    return %arg0, %c0_i32, %c0_i32_0 : i32, i32, i32
  }
  func.func @transform_3(%arg0: i32) -> (i32, i32) {
    %c0_i32 = arith.constant 0 : i32
    %c0_i32_0 = arith.constant 0 : i32
    %c0_i32_1 = arith.constant 0 : i32
    return %c0_i32, %c0_i32_0 : i32, i32
  }
}

</mosaic_0001>

<sc_bundles>
// kernel: kernel.4.cloned.1.call-start
scs
__scs_entry_jumppad:
0x0: {  	(pc) =	sbr.rel $0x88, $3  }
0x1: {  	(tag) =	ssettag $0x0;
	lr =	simm.s32 $0x1  }
0x2: {  	[smem:$0x3F9F] =	sst lr;
	_ =	strace $0xD0000000  }
0x3: {  	_ = 	snop  }
0x4: {  	_ = 	snop  }
0x5: {  	_ = 	snop  }
0x6: {  	_ = 	snop  }
0x7: {  	_ = 	snop  }
__scs_overlays_trampoline_lowered:
0x8: {  	[smem:$0x3FAE] =	sst s0  }
0x9: {  	[smem:$0x3FAF] =	sst s1  }
0xa: {  	[smem:$0x3FB0] =	sst s2  }
0xb: {  	[smem:$0x3FB1] =	sst s3  }
0xc: {  	[smem:$0x3FB2] =	sst s4  }
0xd: {  	[smem:$0x3FB3] =	sst s5  }
0xe: {  	[smem:$0x3FB4] =	sst s6  }
0xf: {  	[smem:$0x3FB5] =	sst s7  }
0x10: {  	[smem:$0x3FB6] =	sst s8  }
0x11: {  	[smem:$0x3FB7] =	sst s9;
	s0 =	simm.s32 @!p0 $0x0  }
0x12: {  	s1 =	sld [smem:$0x3F9D];
	s0 =	simm.s32 @p0 $0x1  }
0x13: {  	[smem:$0x3FB8] =	sst s0;
	s0 =	simm.s32 @!p1 $0x0  }
0x14: {  	s2 =	sld [smem:$0x3F9C];
	s0 =	simm.s32 @p1 $0x1  }
0x15: {  	[smem:$0x3FB9] =	sst s0;
	s0 =	simm.s32 @!p2 $0x0  }
0x16: {  	s3 =	sld [smem:$0x3FDB];
	s0 =	simm.s32 @p2 $0x1  }
0x17: {  	s4 =	simm.s32 $0x1BF5;
	[smem:$0x3FBB] =	sst s0  }
0x18: {  	s0 =	sld [smem:$0x3F9E];
	_ =	swait.ge [sflag:s4], $0x0  }
0x19: {  	s7 =	sld [smem:$0x3F9F]  }
0x1a: {  	s8 =	sadd.s32 $0xFFFFE003, lr  }
0x1b: {  	s9 =	sadd.s32 $0xFFFFFEF7, lr;
	s5 =	simm.s32 $0xFFFFFFFF;
	p2 =	slt.u32 s8, $0xFFFFF086  }
0x1c: {  	p1 =	slt.u32 s9, $0xF7A;
	s5 =	simm.s32 @!p2 $0x0  }
0x1d: {  	s5 =	simm.s32 @p1 $0x1;
	p0 =	seq.s32 s7, s2  }
0x1e: {  	s7 =	smul.u32 @!p0 $0xF7A, s2;
	p2 =	seq.s32 @!p0 s5, $0x0  }
0x1f: {  	s9 =	smul.u32 $0xF7A, s1;
	s8 =	simm.s32 @!p0 $0x1BF5;
	p2 =	por !p2, p0  }
0x20: {  	[sflag:s8] =	ssyncset.s32 @!p0 $0xFFFFF086;
	s6 =	sadd.s32 @!p0 s3, s7;
	s7 =	simm.s32 @!p0 $0x108  }
0x21: {  	s3 =	sadd.s32 s3, s9;
	s6 =	sadd.s32 @!p0 $0x88, s6;
	s7 =	simm.s32 @p2 $0x1082  }
0x22: {  	[simem:s7], [sflag:s8] =	dma.local @!p0 [hbm:s6], $0xF7A  }
0x23: {  	s9 =	sor.u32 $0xD0000000, s2;
	s6 =	simm.s32 $0x108;
	_ =	swait.ge @!p0 [sflag:s8], $0x0  }
0x24: {  	s3 =	sadd.s32 $0x88, s3;
	s6 =	simm.s32 @!p1 $0x1082;
	[sflag:s4] =	ssyncset.s32 $0xFFFFF086  }
0x25: {  	[simem:s6], [sflag:s4] =	dma.local [hbm:s3], $0xF7A  }
0x26: {  	[smem:$0x3F9F] =	sst s1;
	(tag) =	ssettag s2;
	_ =	strace s9  }
0x27: {  	s1 =	sld [smem:$0x3FAF]  }
0x28: {  	s2 =	sld [smem:$0x3FB0]  }
0x29: {  	s4 =	sld [smem:$0x3FB2]  }
0x2a: {  	p0 =	seq.s32 s5, $0x0;
	s5 =	sld [smem:$0x3FB3]  }
0x2b: {  	s6 =	sld [smem:$0x3FB4]  }
0x2c: {  	s7 =	sld [smem:$0x3FB5]  }
0x2d: {  	s3 =	simm.s32 $0x108;
	s8 =	sld [smem:$0x3FB6]  }
0x2e: {  	s3 =	simm.s32 @!p0 $0x1082;
	s9 =	sld [smem:$0x3FB7]  }
0x2f: {  	lr =	sadd.s32 s0, s3;
	s0 =	sld [smem:$0x3FAE]  }
0x30: {  	s3 =	sld [smem:$0x3FB1]  }
0x31: {  	[smem:$0x3FBA] =	sst s10  }
0x32: {  	s10 =	sld [smem:$0x3FB8];
	_ =	sdelay $0x3  }
0x33: {  	p0 =	seq.s32 s10, $0x1;
	s10 =	sld [smem:$0x3FBA];
	_ =	sdelay $0x3  }
0x34: {  	[smem:$0x3FBA] =	sst s10  }
0x35: {  	s10 =	sld [smem:$0x3FB9];
	_ =	sdelay $0x3  }
0x36: {  	p1 =	seq.s32 s10, $0x1;
	s10 =	sld [smem:$0x3FBA];
	_ =	sdelay $0x3  }
0x37: {  	[smem:$0x3FBA] =	sst s10  }
0x38: {  	s10 =	sld [smem:$0x3FBB]  }
0x39: {  	_ = 	snop;
	(pc) =	sbr.ind lr, $3  }
0x3a: {  	_ = 	snop  }
0x3b: {  	_ = 	snop  }
0x3c: {  	p2 =	seq.s32 s10, $0x1;
	s10 =	sld [smem:$0x3FBA]  }
0x3d: {  	_ =	shalt  }
0x3e: {  	_ =	shalt  }
0x3f: {  	_ =	shalt  }
0x40: {  	_ =	shalt  }
0x41: {  	_ =	shalt  }
0x42: {  	_ =	shalt  }
0x43: {  	_ =	shalt  }
0x44: {  	_ =	shalt  }
0x45: {  	_ =	shalt  }
0x46: {  	_ =	shalt  }
0x47: {  	_ =	shalt  }
0x48: {  	_ =	shalt  }
0x49: {  	_ =	shalt  }
0x4a: {  	_ =	shalt  }
0x4b: {  	_ =	shalt  }
0x4c: {  	_ =	shalt  }
0x4d: {  	_ =	shalt  }
0x4e: {  	_ =	shalt  }
0x4f: {  	_ =	shalt  }
0x50: {  	_ =	shalt  }
0x51: {  	_ =	shalt  }
0x52: {  	_ =	shalt  }
0x53: {  	_ =	shalt  }
0x54: {  	_ =	shalt  }
0x55: {  	_ =	shalt  }
0x56: {  	_ =	shalt  }
0x57: {  	_ =	shalt  }
0x58: {  	_ =	shalt  }
0x59: {  	_ =	shalt  }
0x5a: {  	_ =	shalt  }
0x5b: {  	_ =	shalt  }
0x5c: {  	_ =	shalt  }
0x5d: {  	_ =	shalt  }
0x5e: {  	_ =	shalt  }
0x5f: {  	_ =	shalt  }
0x60: {  	_ =	shalt  }
0x61: {  	_ =	shalt  }
0x62: {  	_ =	shalt  }
0x63: {  	_ =	shalt  }
0x64: {  	_ =	shalt  }
0x65: {  	_ =	shalt  }
0x66: {  	_ =	shalt  }
0x67: {  	_ =	shalt  }
0x68: {  	_ =	shalt  }
0x69: {  	_ =	shalt  }
0x6a: {  	_ =	shalt  }
0x6b: {  	_ =	shalt  }
0x6c: {  	_ =	shalt  }
0x6d: {  	_ =	shalt  }
0x6e: {  	_ =	shalt  }
0x6f: {  	_ =	shalt  }
0x70: {  	_ =	shalt  }
0x71: {  	_ =	shalt  }
0x72: {  	_ =	shalt  }
0x73: {  	_ =	shalt  }
0x74: {  	_ =	shalt  }
0x75: {  	_ =	shalt  }
0x76: {  	_ =	shalt  }
0x77: {  	_ =	shalt  }
0x78: {  	_ =	shalt  }
0x79: {  	_ =	shalt  }
0x7a: {  	_ =	shalt  }
0x7b: {  	_ =	shalt  }
0x7c: {  	_ =	shalt  }
0x7d: {  	_ =	shalt  }
0x7e: {  	_ =	shalt  }
0x7f: {  	_ =	shalt  }
0x80: {  	_ =	shalt  }
0x81: {  	_ =	shalt  }
0x82: {  	_ =	shalt  }
0x83: {  	_ =	shalt  }
0x84: {  	_ =	shalt  }
0x85: {  	_ =	shalt  }
0x86: {  	_ =	shalt  }
0x87: {  	_ =	shalt  }
.Lfunc_end0:
.L_simem_size_0:
called_computation_lowered:
.L_overlay_start_0:
0x88: {  	s2 =	sld [smem:$0x3FD9]  }
0x89: {  	s3 =	sld [smem:$0x3FFE];
	_ =	sdelay $0x1  }
0x8a: {  	s1 =	srdreg.scid  }
0x8b: {  	s0 =	sand.u32 $0x1, s1  }
0x8c: {  	s17 =	sshll.u32 s0, $0xA;
	s2 =	sadd.s32 s3, s2  }
0x8d: {  	s2 =	sadd.s32 s2, s17  }
0x8e: {  	[smem:$0x3FC6] =	sst s2  }
0x8f: {  	_ = 	snop  }
0x90: {  	s2 =	sld [smem:$0x3FC9]  }
0x91: {  	s18 =	sld [smem:$0x3FC8];
	(tm) =	ssettm $0x1  }
0x92: {  	s4 =	sld [smem:$0x3FFB];
	_ =	sdelay $0x3  }
0x93: {  	_ =	strace s4  }
0x94: {  	s4 =	sld [smem:$0x3FFC];
	_ =	sdelay $0x3  }
0x95: {  	_ =	strace s4  }
0x96: {  	s4 =	sld [smem:$0x3FFD];
	_ =	sdelay $0x3  }
0x97: {  	_ =	strace s4  }
0x98: {  	_ =	strace $0x8FFFFFFF  }
0x99: {  	s19 =	sld [smem:$0x3FDB];
	_ =	sdelay $0x1  }
0x9a: {  	s5 =	simm.s32 $_scs_section_size  }
0x9b: {  	s6 =	simm.s32 $_size__tile_overlayer_lowered;
	s7 =	simm.s32 $_tile_overlayer_lowered  }
0x9c: {  	s22 =	simm.s32 $0x1BFF;
	s21 =	sshll.u32 s7, $0x1;
	s4 =	sadd.s32 s5, s19  }
0x9d: {  	s8 =	simm.s32 $0x0;
	s20 =	sshll.u32 s6, $0x1;
	s6 =	sadd.s32 s21, s4  }
0x9e: {  	[timem:s8], [sflag:s22] =	dma.local [hbm:s6], s20  }
0x9f: {  	_ =	swait.ge [sflag:s22], s20  }
0xa0: {  	s5 =	ssub.s32 $0x0, s20;
	[sflag:s22] =	ssyncset.done $0x0  }
0xa1: {  	[sflag:s22] =	ssyncadd.s32 s5;
	_ =	sdelay $0x1  }
0xa2: {  	s23 =	simm.s32 $0x1B8B  }
0xa3: {  	_ =	swait.ge [sflag:s23], $0x1  }
0xa4: {  	[sflag:s23] =	ssyncset.done $0x0  }
0xa5: {  	s25 =	simm.s32 $0x1B8E;
	s24 =	sld [smem:$0x3FFE];
	[sflag:s23] =	ssyncadd.s32 $0xFFFFFFFF  }
0xa6: {  	s26 =	simm.s32 $execute0_lowered;
	[smem:$0x3FD2] =	sst s25  }
0xa7: {  	s6 =	sshll.u32 s26, $0x1;
	_ =	strace $0x80000046;
	[dreg:$0x1] =	wrdreg $0xFFFFFFFF  }
0xa8: {  	s28 =	simm.s32 $_size_execute0_lowered;
	s4 =	sadd.s32 s4, s6;
	[dreg:$0x0] =	wrdreg $0x0  }
0xa9: {  	s6 =	sshll.u32 s28, $0x1;
	[dreg:$0x2] =	wrdreg s4  }
0xaa: {  	[dreg:$0x3] =	wrdreg s6  }
0xab: {  	[dreg:$0x4] =	wrdreg $0xC0  }
0xac: {  	_ =	task [dreg:s8], $0x5FFFF  }
0xad: {  	[dreg:$0x1] =	wrdreg $0xFFFFFFFF  }
0xae: {  	[dreg:$0x0] =	wrdreg $0x60  }
0xaf: {  	[dreg:$0x2] =	wrdreg s2  }
0xb0: {  	[dreg:$0x3] =	wrdreg s18  }
0xb1: {  	[dreg:$0x4] =	wrdreg s24  }
0xb2: {  	[dreg:$0x5] =	wrdreg $0x9  }
0xb3: {  	_ =	task.clear_ibuf [dreg:s8], $0x6FFFF;
	_ =	strace $0x90000046  }
0xb4: {  	s29 =	simm.s32 $0x9;
	_ =	strace $0x80000048  }
0xb5: {  	_ =	swait.ge [sflag:s29], $0x1  }
0xb6: {  	[sflag:s29] =	ssyncadd.s32 $0xFFFFFFFF  }
0xb7: {  	_ =	strace $0x90000048  }
0xb8: {  	_ =	sfence  }
0xb9: {  	s30 =	sld [smem:$0x0];
	_ =	sdelay $0x2  }
0xba: {  	s31 =	sshll.u32 s1, $0xD;
	s1 =	sshrl.u32 s1, $0x2  }
0xbb: {  	s3 =	sand.u32 $0x4000, s31;
	s1 =	sadd.s32 s1, s30  }
0xbc: {  	s0 =	sor.u32 s3, s0;
	s1 =	sshll.u32 s1, $0x11  }
0xbd: {  	s0 =	sor.u32 s1, s0  }
0xbe: {  	s0 =	sadd.s32 $0x8F2B, s0  }
0xbf: {  	[sflag:s0] =	ssyncadd.remote.s32 $0x1  }
0xc0: {  	_ =	sfence.sel $0xFFFF  }
0xc1: {  	[dreg:$0x0] =	wrdreg $0xFFFFFFFF;
	(pc) =	sbr.abs _section_cstart, $3  }
0xc2: {  	[dreg:$0x1] =	wrdreg $0xFFFFFFFF  }
0xc3: {  	_ =	task.clear_ibuf [dreg:s8], $0x2FFFF;
	_ =	strace $0x9FFFFFFF  }
0xc4: {  	(tm) =	ssettm $0x7FFFFFFF  }
0xc5: {  	_ =	shalt  }
tec
execute0_lowered:
.L_overlay_start_1:
0x0: {  	(tag) =	ssettag $0x1  }
0x1: {  	s1 =	rddreg [dreg:$0x0];
	s0 =	srdreg.scid  }
0x2: {  	s2 =	stileid.u32;
	s3 =	rddreg [dreg:$0x1]  }
0x3: {  	s5 =	rddreg [dreg:$0x2];
	s4 =	simm.s32 $0x0;
	s28 =	simm.s32 $0x3600  }
0x4: {  	s29 =	simm.s32 $0x7E00;
	s0 =	sand.u32 $0x1, s0;
	s2 =	sshll.u32 s2, $0x1  }
0x5: {  	s30 =	simm.s32 $0x1;
	s31 =	simm.s32 $0x5;
	s2 =	sor.u32 s0, s2  }
0x6: {  	[smem:$0x7FF] =	sst s4;
	s0 =	ssub.s32 $0x2, s0;
	s6 =	smul.u32 $0x28, s2  }
0x7: {  	s7 =	sshll.u32 s2, $0x4;
	s2 =	smul.u32 $0x500, s2;
	s8 =	sshrl.u32 s0, $0x1  }
0x8: {  	_ =	strace $0x80000047;
	s7 =	sadd.s32 s7, s5;
	s0 =	ssub.s32 s0, s8  }
0x9: {  	s2 =	sshrl.u32 s2, $0x3;
	s9 =	smin.u32 s6, $0x4D7;
	s16 =	sor.u32 $0x1, s6  }
0xa: {  	s18 =	sor.u32 $0x2, s6;
	s19 =	sor.u32 $0x3, s6;
	s14 =	sor.u32 $0x4, s6  }
0xb: {  	s2 =	sadd.s32 s5, s2;
	s15 =	smul.u32 $0x1200, s9;
	s17 =	smin.u32 s16, $0x4D7  }
0xc: {  	s8 =	smin.u32 s18, $0x4D7;
	s9 =	smin.u32 s19, $0x4D7;
	s16 =	sor.u32 $0x6, s6  }
0xd: {  	s18 =	sadd.s32 $0x2A00, s7;
	s19 =	smax.u32 s0, $0x1;
	s8 =	smul.u32 $0x1200, s8  }
0xe: {  	s0 =	simm.s32 $0x6;
	s2 =	sadd.s32 $0x1560, s2;
	s20 =	smul.u32 $0x1200, s9  }
0xf: {  	[dreg:$0x4] =	wrdreg s2;
	s5 =	sshrl.u32 s15, $0x3;
	s2 =	smul.u32 $0x1200, s17  }
0x10: {  	s15 =	sor.u32 $0x5, s6;
	s17 =	sor.u32 $0x7, s6;
	s5 =	sadd.s32 $0xAE600, s5  }
0x11: {  	s22 =	sshrl.u32 s8, $0x3;
	s24 =	sshrl.u32 s20, $0x3;
	s20 =	simm.s32 $0x3  }
0x12: {  	s2 =	sshrl.u32 s2, $0x3;
	s10 =	sadd.s32 s1, s5;
	s5 =	sadd.s32 s3, s5  }
0x13: {  	s23 =	sadd.s32 $0xAE600, s22;
	s26 =	sadd.s32 $0xAE600, s24;
	s22 =	simm.s32 $0x7  }
0x14: {  	s24 =	simm.s32 $0x8;
	[dreg:$0x5] =	wrdreg s10;
	s2 =	sadd.s32 $0xAE600, s2  }
.Ltmp0:
0x15: {  	[dreg:$0x6] =	wrdreg s5;
	s25 =	sadd.s32 s1, s23;
	(pc) =	sbr.rel .LBB2_1-.Ltmp0, $4  }
0x16: {  	s11 =	sadd.s32 s3, s23;
	s12 =	sadd.s32 s1, s26;
	s13 =	sadd.s32 s3, s26  }
0x17: {  	s23 =	simm.s32 $0x4;
	s21 =	sadd.s32 s1, s2;
	[dreg:$0x9] =	wrdreg s25  }
0x18: {  	s26 =	simm.s32 $0x0;
	s2 =	sadd.s32 s3, s2;
	[dreg:$0x7] =	wrdreg s21  }
0x19: {  	[dreg:$0x8] =	wrdreg s2;
	s21 =	simm.s32 $0x9;
	s2 =	simm.s32 $0x2  }
.LBB2_20:
0x1a: {  	s26 =	sadd.s32 $0x1, s26  }
0x1b: {  	p0 =	sne.s32 s26, s19  }
.Ltmp1:
0x1c: {  	[tilespmem:$0x9500] =	vst v0;
	s5 =	simm.s32 $0x9500;
	(pc) =	sbr.rel @!p0 .LBB2_21-.Ltmp1, $4  }
0x1d: {  	[hbm4b:s18+s4] =	stream.linear.scatter [tilespmem:s5], [sflag:$0x9], $0x80, $0x38;
	[tilespmem:$0x9580] =	vst v63  }
0x1e: {  	_ =	swait.ge [sflag:s21], $0x80  }
0x1f: {  	[sflag:s21] =	ssyncset.done $0x0  }
0x20: {  	[sflag:s21] =	ssyncadd.s32 $0xFFFFFF80  }
.LBB2_1:
0x21: {  	s5 =	rddreg [dreg:$0x4];
	s6 =	simm.s32 $0x9000  }
0x22: {  	[tilespmem:s6], [sflag:$0x9] =	stream.linear.gather [hbm4b:s5+s4], $0x500, $0x38;
	[tilespmem:$0x9580] =	vst v63  }
0x23: {  	_ =	swait.ge [sflag:s21], $0x500  }
0x24: {  	[sflag:s21] =	ssyncset.done $0x0  }
0x25: {  	s7 =	rddreg [dreg:$0x5];
	[sflag:s21] =	ssyncadd.s32 $0xFFFFFB00  }
0x26: {  	[tilespmem:s4], [sflag:$0x1] =	stream.linear.gather [hbm4b:s7+s4], $0x1200, $0x38;
	[tilespmem:$0x9580] =	vst v63  }
0x27: {  	s9 =	simm.s32 $0x4800;
	s8 =	rddreg [dreg:$0x6]  }
0x28: {  	[tilespmem:s9], [sflag:$0x5] =	stream.linear.gather [hbm4b:s8+s4], $0x1200, $0x38;
	[tilespmem:$0x9580] =	vst v63  }
0x29: {  	s25 =	simm.s32 $0x1200;
	s10 =	rddreg [dreg:$0x7]  }
0x2a: {  	[tilespmem:s25], [sflag:$0x2] =	stream.linear.gather [hbm4b:s10+s4], $0x1200, $0x38;
	[tilespmem:$0x9580] =	vst v63  }
0x2b: {  	s7 =	rddreg [dreg:$0x8];
	s8 =	simm.s32 $0x5A00  }
0x2c: {  	[tilespmem:s8], [sflag:$0x6] =	stream.linear.gather [hbm4b:s7+s4], $0x1200, $0x38;
	[tilespmem:$0x9580] =	vst v63  }
0x2d: {  	s9 =	rddreg [dreg:$0x9];
	s10 =	simm.s32 $0x2400  }
0x2e: {  	[tilespmem:s10], [sflag:$0x3] =	stream.linear.gather [hbm4b:s9+s4], $0x1200, $0x38;
	[tilespmem:$0x9580] =	vst v63  }
0x2f: {  	s25 =	simm.s32 $0x6C00  }
0x30: {  	[tilespmem:s25], [sflag:$0x7] =	stream.linear.gather [hbm4b:s11+s4], $0x1200, $0x38;
	[tilespmem:$0x9580] =	vst v63  }
0x31: {  	_ = 	snop  }
0x32: {  	[tilespmem:s28], [sflag:$0x4] =	stream.linear.gather [hbm4b:s12+s4], $0x1200, $0x38;
	[tilespmem:$0x9580] =	vst v63  }
0x33: {  	s25 =	simm.s32 $0x0  }
0x34: {  	v0 =	vimm.f32 $0.0e+00;
	[tilespmem:s29], [sflag:$0x8] =	stream.linear.gather [hbm4b:s13+s4], $0x1200, $0x38;
	[tilespmem:$0x9580] =	vst v63  }
.LBB2_2:
0x35: {  	_ =	swait.ge [sflag:s30], $0x1200  }
0x36: {  	[sflag:s30] =	ssyncset.done $0x0  }
0x37: {  	[sflag:s30] =	ssyncadd.s32 $0xFFFFEE00  }
0x38: {  	_ =	swait.ge [sflag:s31], $0x1200  }
0x39: {  	[sflag:s31] =	ssyncset.done $0x0  }
0x3a: {  	s5 =	simm.s32 $0x0;
	[sflag:s31] =	ssyncadd.s32 $0xFFFFEE00  }
0x3b: {  	v3 =	vld [tilespmem:s5+$0x60]  }
0x3c: {  	v8 =	vld [tilespmem:s5+$0x4860]  }
0x3d: {  	v4 =	vld [tilespmem:s5+$0x40]  }
0x3e: {  	v6 =	vld [tilespmem:s5+$0x4840]  }
0x3f: {  	v7 =	vld [tilespmem:s5+$0x50]  }
0x40: {  	v2 =	vld [tilespmem:s5+$0x20]  }
0x41: {  	v5 =	vld [tilespmem:s5+$0x4820]  }
0x42: {  	v1 =	vld [tilespmem:s5+$0x0]  }
0x43: {  	v12 =	vld [tilespmem:s5+$0x4800]  }
0x44: {  	s6 =	simm.s32 $0x200;
	v10 =	vimm.f32 $0.0e+00;
	v9 =	vimm.f32 $0.0e+00;
	v11 =	vld [tilespmem:s5+$0x10]  }
.LBB2_3:
0x45: {  	p0 =	sne.s32 s6, $0x2200;
	v13 =	vld [tilespmem:s5+$0x4810]  }
0x46: {  	v14 =	vld [tilespmem:s5+$0x30]  }
0x47: {  	v15 =	vld [tilespmem:s5+$0x4830]  }
0x48: {  	v16 =	vld [tilespmem:s5+$0x4850]  }
0x49: {  	v17 =	vld [tilespmem:s5+$0x70]  }
0x4a: {  	v1 =	vsub.f32 v1, v12;
	v11 =	vsub.f32 v11, v13;
	v12 =	vld [tilespmem:s5+$0x4870];
	s5 =	sshra.s32 s6, $0x2  }
0x4b: {  	v2 =	vsub.f32 v2, v5;
	v13 =	vld [tilespmem:s5+$0x60]  }
0x4c: {  	v1 =	vmul.f32 v1, v1;
	v18 =	vld [tilespmem:s5+$0x4860];
	v5 =	vmul.f32 v11, v11;
	v11 =	vsub.f32 v14, v15  }
0x4d: {  	v14 =	vmul.f32 v2, v2;
	v2 =	vsub.f32 v4, v6;
	v4 =	vld [tilespmem:s5+$0x40];
	v15 =	vsub.f32 v7, v16  }
0x4e: {  	v1 =	vadd.f32 v1, v10;
	v6 =	vld [tilespmem:s5+$0x4840];
	v5 =	vadd.f32 v5, v9;
	v9 =	vmul.f32 v11, v11  }
0x4f: {  	v16 =	vsub.f32 v3, v8;
	v10 =	vmul.f32 v2, v2;
	v7 =	vld [tilespmem:s5+$0x50];
	v11 =	vsub.f32 v17, v12  }
.Ltmp2:
0x50: {  	v12 =	vadd.f32 v14, v1;
	v14 =	vmul.f32 v15, v15;
	v2 =	vld [tilespmem:s5+$0x20];
	v9 =	vadd.f32 v9, v5;
	v3 =	vmovc v13;
	(pc) =	sbr.rel @p0 .LBB2_3-.Ltmp2, $4  }
0x51: {  	v13 =	vmul.f32 v16, v16;
	v5 =	vld [tilespmem:s5+$0x4820];
	v8 =	vmov v18  }
0x52: {  	v10 =	vadd.f32 v10, v12;
	v1 =	vld [tilespmem:s5+$0x0];
	v9 =	vadd.f32 v14, v9;
	v14 =	vmul.f32 v11, v11  }
0x53: {  	v12 =	vld [tilespmem:s5+$0x4800]  }
0x54: {  	s6 =	sadd.s32 $0x200, s6;
	v10 =	vadd.f32 v13, v10;
	v11 =	vld [tilespmem:s5+$0x10];
	v9 =	vadd.f32 v14, v9  }
0x55: {  	v13 =	vld [tilespmem:s5+$0x4810]  }
0x56: {  	v14 =	vld [tilespmem:s5+$0x30]  }
0x57: {  	v15 =	vld [tilespmem:s5+$0x4830]  }
0x58: {  	v16 =	vld [tilespmem:s5+$0x4850]  }
0x59: {  	v17 =	vld [tilespmem:s5+$0x70]  }
0x5a: {  	v18 =	vld [tilespmem:s5+$0x4870];
	s7 =	simm.s32 $0x0;
	v12 =	vsub.f32 v1, v12  }
0x5b: {  	s6 =	sshll.u32 s25, $0x7;
	v4 =	vsub.f32 v4, v6;
	v6 =	vld [tilespmem:s7+$0x940];
	v11 =	vsub.f32 v11, v13  }
0x5c: {  	v3 =	vsub.f32 v3, v8;
	s5 =	sand.u32 $0x3FFFFF80, s6;
	v8 =	vld [tilespmem:s7+$0x950];
	v13 =	vsub.f32 v2, v5;
	v12 =	vmul.f32 v12, v12  }
0x5d: {  	v1 =	vld [tilespmem:s5+$0x9000];
	v14 =	vsub.f32 v14, v15;
	v11 =	vmul.f32 v11, v11  }
0x5e: {  	v2 =	vld [tilespmem:s7+$0x960];
	v13 =	vmul.f32 v13, v13;
	v10 =	vadd.f32 v12, v10  }
0x5f: {  	v5 =	vld [tilespmem:s7+$0x5160];
	v12 =	vsub.f32 v7, v16;
	v9 =	vadd.f32 v11, v9;
	v11 =	vmul.f32 v14, v14  }
0x60: {  	v4 =	vmul.f32 v4, v4;
	v15 =	vld [tilespmem:s7+$0x910];
	v10 =	vadd.f32 v13, v10  }
0x61: {  	v7 =	vld [tilespmem:s7+$0x5140];
	v13 =	vsub.f32 v17, v18;
	v14 =	vmul.f32 v12, v12;
	v11 =	vadd.f32 v11, v9  }
0x62: {  	v3 =	vmul.f32 v3, v3;
	v12 =	vld [tilespmem:s7+$0x5120];
	v4 =	vadd.f32 v4, v10  }
0x63: {  	v9 =	vld [tilespmem:s7+$0x920];
	v10 =	vadd.f32 v14, v11;
	v11 =	vmul.f32 v13, v13  }
0x64: {  	v13 =	vld [tilespmem:s7+$0x900];
	v3 =	vadd.f32 v3, v4  }
0x65: {  	s6 =	simm.s32 $0x200;
	v14 =	vld [tilespmem:s7+$0x5100];
	v4 =	vadd.f32 v11, v10;
	v10 =	vimm.f32 $0.0e+00;
	v11 =	vimm.f32 $0.0e+00  }
.LBB2_5:
0x66: {  	p0 =	sne.s32 s6, $0x2200;
	v16 =	vld [tilespmem:s7+$0x5110]  }
0x67: {  	v17 =	vld [tilespmem:s7+$0x930]  }
0x68: {  	v18 =	vld [tilespmem:s7+$0x5130]  }
0x69: {  	v19 =	vld [tilespmem:s7+$0x5150]  }
0x6a: {  	v20 =	vld [tilespmem:s7+$0x970]  }
0x6b: {  	v13 =	vsub.f32 v13, v14;
	v14 =	vsub.f32 v15, v16;
	v15 =	vld [tilespmem:s7+$0x5170];
	s7 =	sshra.s32 s6, $0x2  }
0x6c: {  	v9 =	vsub.f32 v9, v12;
	v16 =	vld [tilespmem:s7+$0x960]  }
0x6d: {  	v12 =	vmul.f32 v13, v13;
	v21 =	vld [tilespmem:s7+$0x5160];
	v13 =	vmul.f32 v14, v14;
	v14 =	vsub.f32 v17, v18  }
0x6e: {  	v17 =	vmul.f32 v9, v9;
	v9 =	vsub.f32 v6, v7;
	v6 =	vld [tilespmem:s7+$0x940];
	v18 =	vsub.f32 v8, v19  }
0x6f: {  	v10 =	vadd.f32 v12, v10;
	v7 =	vld [tilespmem:s7+$0x5140];
	v11 =	vadd.f32 v13, v11;
	v12 =	vmul.f32 v14, v14  }
0x70: {  	v14 =	vmul.f32 v9, v9;
	v13 =	vsub.f32 v2, v5;
	v8 =	vld [tilespmem:s7+$0x950];
	v15 =	vsub.f32 v20, v15  }
.Ltmp3:
0x71: {  	v10 =	vadd.f32 v17, v10;
	v17 =	vmul.f32 v18, v18;
	v9 =	vld [tilespmem:s7+$0x920];
	v11 =	vadd.f32 v12, v11;
	v2 =	vmovc v16;
	(pc) =	sbr.rel @p0 .LBB2_5-.Ltmp3, $4  }
0x72: {  	v16 =	vmul.f32 v13, v13;
	v12 =	vld [tilespmem:s7+$0x5120];
	v5 =	vmov v21  }
0x73: {  	v10 =	vadd.f32 v14, v10;
	v13 =	vld [tilespmem:s7+$0x900];
	v11 =	vadd.f32 v17, v11;
	v17 =	vmul.f32 v15, v15  }
0x74: {  	v14 =	vld [tilespmem:s7+$0x5100]  }
0x75: {  	s6 =	sadd.s32 $0x200, s6;
	v10 =	vadd.f32 v16, v10;
	v15 =	vld [tilespmem:s7+$0x910];
	v11 =	vadd.f32 v17, v11  }
0x76: {  	s6 =	sshll.u32 s25, $0x2;
	p0 =	seq.s32 s25, $0x9  }
0x77: {  	v16 =	vld [tilespmem:s7+$0x5110];
	s8 =	sadd.s32 @!p0 s6, s14  }
0x78: {  	v17 =	vld [tilespmem:s7+$0x930];
	s8 =	smin.u32 @!p0 s8, $0x4D7  }
0x79: {  	v18 =	vld [tilespmem:s7+$0x5130];
	s8 =	smul.u32 @!p0 $0x1200, s8  }
0x7a: {  	v19 =	vld [tilespmem:s7+$0x5150]  }
0x7b: {  	v20 =	vld [tilespmem:s7+$0x970];
	s8 =	sshrl.u32 @!p0 s8, $0x3  }
0x7c: {  	v21 =	vld [tilespmem:s7+$0x5170];
	s7 =	sadd.s32 @!p0 $0xAE600, s8  }
0x7d: {  	s9 =	simm.s32 @!p0 $0x0;
	s8 =	sadd.s32 @!p0 s1, s7  }
0x7e: {  	v22 =	vld [tilespmem:s5+$0x9010];
	[tilespmem:s9], [sflag:$0x1] =	stream.linear.gather @!p0 [hbm4b:s8+s9], $0x1200, $0x38  }
0x7f: {  	v13 =	vsub.f32 v13, v14;
	s7 =	sadd.s32 @!p0 s3, s7;
	s8 =	simm.s32 @!p0 $0x4800  }
0x80: {  	v14 =	vsub.f32 v15, v16;
	[tilespmem:s8], [sflag:$0x5] =	stream.linear.gather @!p0 [hbm4b:s7+s9], $0x1200, $0x38;
	[tilespmem:$0x9580] =	vst v63  }
0x81: {  	v9 =	vsub.f32 v9, v12;
	v12 =	vmul.f32 v13, v13;
	_ =	swait.ge [sflag:s2], $0x1200  }
0x82: {  	v13 =	vmul.f32 v14, v14;
	v14 =	vsub.f32 v17, v18;
	[sflag:s2] =	ssyncset.done $0x0  }
0x83: {  	v6 =	vsub.f32 v6, v7;
	v9 =	vmul.f32 v9, v9;
	v7 =	vadd.f32 v12, v10;
	[sflag:s2] =	ssyncadd.s32 $0xFFFFEE00  }
0x84: {  	v8 =	vsub.f32 v8, v19;
	v10 =	vadd.f32 v13, v11;
	v11 =	vmul.f32 v14, v14;
	_ =	swait.ge [sflag:s0], $0x1200  }
0x85: {  	v2 =	vsub.f32 v2, v5;
	v6 =	vmul.f32 v6, v6;
	v5 =	vadd.f32 v9, v7;
	[sflag:s0] =	ssyncset.done $0x0  }
0x86: {  	v7 =	vsub.f32 v20, v21;
	s7 =	simm.s32 $0x0;
	v9 =	vadd.f32 v11, v10;
	v10 =	vmul.f32 v8, v8;
	[sflag:s0] =	ssyncadd.s32 $0xFFFFEE00  }
0x87: {  	v2 =	vmul.f32 v2, v2;
	v5 =	vadd.f32 v6, v5;
	v8 =	vld [tilespmem:s7+$0x1260]  }
0x88: {  	v7 =	vmul.f32 v7, v7;
	v10 =	vadd.f32 v10, v9;
	v9 =	vld [tilespmem:s7+$0x5A60]  }
0x89: {  	v2 =	vadd.f32 v2, v5;
	v6 =	vld [tilespmem:s7+$0x1240]  }
0x8a: {  	v5 =	vadd.f32 v7, v10;
	v7 =	vadd.f32 v4, v3;
	v3 =	vld [tilespmem:s7+$0x5A40]  }
0x8b: {  	v4 =	vld [tilespmem:s7+$0x1250]  }
0x8c: {  	v1 =	vmul.f32 v1, v7;
	v7 =	vadd.f32 v5, v2;
	v2 =	vld [tilespmem:s7+$0x1220]  }
0x8d: {  	v5 =	vld [tilespmem:s7+$0x5A20]  }
0x8e: {  	v11 =	vld [tilespmem:s7+$0x5A00];
	v0 =	vadd.f32 v1, v0;
	v7 =	vmul.f32 v22, v7  }
0x8f: {  	v12 =	vld [tilespmem:s7+$0x1210]  }
0x90: {  	s8 =	simm.s32 $0x200;
	v10 =	vimm.f32 $0.0e+00;
	v1 =	vld [tilespmem:s7+$0x1200];
	v0 =	vadd.f32 v7, v0;
	v7 =	vimm.f32 $0.0e+00  }
.LBB2_7:
0x91: {  	p1 =	sne.s32 s8, $0x2200;
	v13 =	vld [tilespmem:s7+$0x5A10]  }
0x92: {  	v14 =	vld [tilespmem:s7+$0x1230]  }
0x93: {  	v15 =	vld [tilespmem:s7+$0x5A30]  }
0x94: {  	v16 =	vld [tilespmem:s7+$0x5A50]  }
0x95: {  	v17 =	vld [tilespmem:s7+$0x1270]  }
0x96: {  	v1 =	vsub.f32 v1, v11;
	v11 =	vsub.f32 v12, v13;
	v12 =	vld [tilespmem:s7+$0x5A70];
	s7 =	sshra.s32 s8, $0x2  }
0x97: {  	v2 =	vsub.f32 v2, v5;
	v13 =	vld [tilespmem:s7+$0x1260]  }
0x98: {  	v1 =	vmul.f32 v1, v1;
	v18 =	vld [tilespmem:s7+$0x5A60];
	v5 =	vmul.f32 v11, v11;
	v11 =	vsub.f32 v14, v15  }
0x99: {  	v14 =	vmul.f32 v2, v2;
	v2 =	vsub.f32 v6, v3;
	v6 =	vld [tilespmem:s7+$0x1240];
	v15 =	vsub.f32 v4, v16  }
0x9a: {  	v1 =	vadd.f32 v1, v7;
	v3 =	vld [tilespmem:s7+$0x5A40];
	v5 =	vadd.f32 v5, v10;
	v7 =	vmul.f32 v11, v11  }
0x9b: {  	v16 =	vsub.f32 v8, v9;
	v10 =	vmul.f32 v2, v2;
	v4 =	vld [tilespmem:s7+$0x1250];
	v11 =	vsub.f32 v17, v12  }
.Ltmp4:
0x9c: {  	v12 =	vadd.f32 v14, v1;
	v14 =	vmul.f32 v15, v15;
	v2 =	vld [tilespmem:s7+$0x1220];
	v7 =	vadd.f32 v7, v5;
	v8 =	vmovc v13;
	(pc) =	sbr.rel @p1 .LBB2_7-.Ltmp4, $4  }
0x9d: {  	v13 =	vmul.f32 v16, v16;
	v5 =	vld [tilespmem:s7+$0x5A20];
	v9 =	vmov v18  }
0x9e: {  	v10 =	vadd.f32 v10, v12;
	v15 =	vmul.f32 v11, v11;
	v1 =	vld [tilespmem:s7+$0x1200];
	v14 =	vadd.f32 v14, v7  }
0x9f: {  	v11 =	vld [tilespmem:s7+$0x5A00]  }
0xa0: {  	s8 =	sadd.s32 $0x200, s8;
	v7 =	vadd.f32 v13, v10;
	v12 =	vld [tilespmem:s7+$0x1210];
	v10 =	vadd.f32 v15, v14  }
0xa1: {  	v13 =	vld [tilespmem:s7+$0x5A10]  }
0xa2: {  	v14 =	vld [tilespmem:s7+$0x1230]  }
0xa3: {  	v15 =	vld [tilespmem:s7+$0x5A30]  }
0xa4: {  	v16 =	vld [tilespmem:s7+$0x5A50]  }
0xa5: {  	v17 =	vld [tilespmem:s7+$0x1270]  }
0xa6: {  	v18 =	vld [tilespmem:s7+$0x5A70];
	s7 =	simm.s32 $0x0;
	v11 =	vsub.f32 v1, v11  }
0xa7: {  	v3 =	vsub.f32 v6, v3;
	v6 =	vld [tilespmem:s7+$0x1B40];
	v12 =	vsub.f32 v12, v13  }
0xa8: {  	v1 =	vld [tilespmem:s5+$0x9020];
	v13 =	vsub.f32 v2, v5;
	v11 =	vmul.f32 v11, v11  }
0xa9: {  	v2 =	vld [tilespmem:s7+$0x1B60];
	v14 =	vsub.f32 v14, v15;
	v12 =	vmul.f32 v12, v12  }
0xaa: {  	v5 =	vld [tilespmem:s7+$0x6360];
	v13 =	vmul.f32 v13, v13;
	v11 =	vadd.f32 v11, v7  }
0xab: {  	v4 =	vsub.f32 v4, v16;
	v15 =	vld [tilespmem:s7+$0x1B10];
	v10 =	vadd.f32 v12, v10;
	v12 =	vmul.f32 v14, v14  }
0xac: {  	v3 =	vmul.f32 v3, v3;
	v7 =	vld [tilespmem:s7+$0x6340];
	v14 =	vsub.f32 v8, v9;
	v11 =	vadd.f32 v13, v11  }
0xad: {  	v4 =	vmul.f32 v4, v4;
	v8 =	vld [tilespmem:s7+$0x1B50];
	v13 =	vsub.f32 v17, v18;
	v10 =	vadd.f32 v12, v10  }
0xae: {  	v9 =	vld [tilespmem:s7+$0x1B20];
	v14 =	vmul.f32 v14, v14  }
0xaf: {  	v3 =	vadd.f32 v3, v11;
	v12 =	vld [tilespmem:s7+$0x6320];
	v4 =	vadd.f32 v4, v10;
	v10 =	vmul.f32 v13, v13  }
0xb0: {  	v11 =	vimm.f32 $0.0e+00;
	v13 =	vld [tilespmem:s7+$0x1B00]  }
0xb1: {  	s8 =	simm.s32 $0x200;
	v3 =	vadd.f32 v14, v3;
	v14 =	vld [tilespmem:s7+$0x6300];
	v4 =	vadd.f32 v10, v4;
	v10 =	vimm.f32 $0.0e+00  }
.LBB2_9:
0xb2: {  	p1 =	sne.s32 s8, $0x2200;
	v16 =	vld [tilespmem:s7+$0x6310]  }
0xb3: {  	v17 =	vld [tilespmem:s7+$0x1B30]  }
0xb4: {  	v18 =	vld [tilespmem:s7+$0x6330]  }
0xb5: {  	v19 =	vld [tilespmem:s7+$0x6350]  }
0xb6: {  	v20 =	vld [tilespmem:s7+$0x1B70]  }
0xb7: {  	v13 =	vsub.f32 v13, v14;
	v14 =	vsub.f32 v15, v16;
	v15 =	vld [tilespmem:s7+$0x6370];
	s7 =	sshra.s32 s8, $0x2  }
0xb8: {  	v9 =	vsub.f32 v9, v12;
	v16 =	vld [tilespmem:s7+$0x1B60]  }
0xb9: {  	v12 =	vmul.f32 v13, v13;
	v21 =	vld [tilespmem:s7+$0x6360];
	v13 =	vmul.f32 v14, v14;
	v14 =	vsub.f32 v17, v18  }
0xba: {  	v17 =	vmul.f32 v9, v9;
	v9 =	vsub.f32 v6, v7;
	v6 =	vld [tilespmem:s7+$0x1B40];
	v18 =	vsub.f32 v8, v19  }
0xbb: {  	v10 =	vadd.f32 v12, v10;
	v7 =	vld [tilespmem:s7+$0x6340];
	v11 =	vadd.f32 v13, v11;
	v12 =	vmul.f32 v14, v14  }
0xbc: {  	v14 =	vmul.f32 v9, v9;
	v13 =	vsub.f32 v2, v5;
	v8 =	vld [tilespmem:s7+$0x1B50];
	v15 =	vsub.f32 v20, v15  }
.Ltmp5:
0xbd: {  	v10 =	vadd.f32 v17, v10;
	v17 =	vmul.f32 v18, v18;
	v9 =	vld [tilespmem:s7+$0x1B20];
	v11 =	vadd.f32 v12, v11;
	v2 =	vmovc v16;
	(pc) =	sbr.rel @p1 .LBB2_9-.Ltmp5, $4  }
0xbe: {  	v16 =	vmul.f32 v13, v13;
	v12 =	vld [tilespmem:s7+$0x6320];
	v5 =	vmov v21  }
0xbf: {  	v10 =	vadd.f32 v14, v10;
	v13 =	vld [tilespmem:s7+$0x1B00];
	v11 =	vadd.f32 v17, v11;
	v17 =	vmul.f32 v15, v15  }
0xc0: {  	v14 =	vld [tilespmem:s7+$0x6300]  }
0xc1: {  	s8 =	sadd.s32 $0x200, s8;
	v10 =	vadd.f32 v16, v10;
	v15 =	vld [tilespmem:s7+$0x1B10];
	v11 =	vadd.f32 v17, v11  }
0xc2: {  	v16 =	vld [tilespmem:s7+$0x6310];
	s8 =	sadd.s32 @!p0 s6, s15  }
0xc3: {  	v17 =	vld [tilespmem:s7+$0x1B30];
	s8 =	smin.u32 @!p0 s8, $0x4D7  }
0xc4: {  	v18 =	vld [tilespmem:s7+$0x6330];
	s8 =	smul.u32 @!p0 $0x1200, s8  }
0xc5: {  	v19 =	vld [tilespmem:s7+$0x6350]  }
0xc6: {  	v20 =	vld [tilespmem:s7+$0x1B70];
	s8 =	sshrl.u32 @!p0 s8, $0x3  }
0xc7: {  	v21 =	vld [tilespmem:s7+$0x6370];
	s7 =	sadd.s32 @!p0 $0xAE600, s8  }
0xc8: {  	s9 =	simm.s32 @!p0 $0x0;
	s10 =	simm.s32 @!p0 $0x1200;
	s8 =	sadd.s32 @!p0 s1, s7  }
0xc9: {  	v22 =	vld [tilespmem:s5+$0x9030];
	[tilespmem:s10], [sflag:$0x2] =	stream.linear.gather @!p0 [hbm4b:s8+s9], $0x1200, $0x38  }
0xca: {  	v13 =	vsub.f32 v13, v14;
	s7 =	sadd.s32 @!p0 s3, s7;
	s8 =	simm.s32 @!p0 $0x5A00  }
0xcb: {  	v14 =	vsub.f32 v15, v16;
	[tilespmem:s8], [sflag:$0x6] =	stream.linear.gather @!p0 [hbm4b:s7+s9], $0x1200, $0x38;
	[tilespmem:$0x9580] =	vst v63  }
0xcc: {  	v9 =	vsub.f32 v9, v12;
	v12 =	vmul.f32 v13, v13;
	_ =	swait.ge [sflag:s20], $0x1200  }
0xcd: {  	v13 =	vmul.f32 v14, v14;
	v14 =	vsub.f32 v17, v18;
	[sflag:s20] =	ssyncset.done $0x0  }
0xce: {  	v6 =	vsub.f32 v6, v7;
	v9 =	vmul.f32 v9, v9;
	v7 =	vadd.f32 v12, v10;
	[sflag:s20] =	ssyncadd.s32 $0xFFFFEE00  }
0xcf: {  	v8 =	vsub.f32 v8, v19;
	v10 =	vadd.f32 v13, v11;
	v11 =	vmul.f32 v14, v14;
	_ =	swait.ge [sflag:s22], $0x1200  }
0xd0: {  	v2 =	vsub.f32 v2, v5;
	v6 =	vmul.f32 v6, v6;
	v5 =	vadd.f32 v9, v7;
	[sflag:s22] =	ssyncset.done $0x0  }
0xd1: {  	v7 =	vsub.f32 v20, v21;
	s7 =	simm.s32 $0x0;
	v9 =	vadd.f32 v11, v10;
	v10 =	vmul.f32 v8, v8;
	[sflag:s22] =	ssyncadd.s32 $0xFFFFEE00  }
0xd2: {  	v2 =	vmul.f32 v2, v2;
	v5 =	vadd.f32 v6, v5;
	v8 =	vld [tilespmem:s7+$0x2460]  }
0xd3: {  	v7 =	vmul.f32 v7, v7;
	v10 =	vadd.f32 v10, v9;
	v9 =	vld [tilespmem:s7+$0x6C60]  }
0xd4: {  	v2 =	vadd.f32 v2, v5;
	v6 =	vld [tilespmem:s7+$0x2440]  }
0xd5: {  	v5 =	vadd.f32 v7, v10;
	v7 =	vadd.f32 v4, v3;
	v3 =	vld [tilespmem:s7+$0x6C40]  }
0xd6: {  	v4 =	vld [tilespmem:s7+$0x2450]  }
0xd7: {  	v11 =	vld [tilespmem:s7+$0x6C00];
	v1 =	vmul.f32 v1, v7;
	v7 =	vadd.f32 v5, v2  }
0xd8: {  	v12 =	vld [tilespmem:s7+$0x2410]  }
0xd9: {  	v2 =	vld [tilespmem:s7+$0x2420];
	v0 =	vadd.f32 v1, v0;
	v7 =	vmul.f32 v22, v7  }
0xda: {  	v5 =	vld [tilespmem:s7+$0x6C20]  }
0xdb: {  	s8 =	simm.s32 $0x200;
	v10 =	vimm.f32 $0.0e+00;
	v1 =	vld [tilespmem:s7+$0x2400];
	v0 =	vadd.f32 v7, v0;
	v7 =	vimm.f32 $0.0e+00  }
.LBB2_11:
0xdc: {  	p1 =	sne.s32 s8, $0x2200;
	v13 =	vld [tilespmem:s7+$0x6C10]  }
0xdd: {  	v14 =	vld [tilespmem:s7+$0x2430]  }
0xde: {  	v15 =	vld [tilespmem:s7+$0x6C30]  }
0xdf: {  	v16 =	vld [tilespmem:s7+$0x6C50]  }
0xe0: {  	v17 =	vld [tilespmem:s7+$0x2470]  }
0xe1: {  	v1 =	vsub.f32 v1, v11;
	v11 =	vsub.f32 v12, v13;
	v12 =	vld [tilespmem:s7+$0x6C70];
	s7 =	sshra.s32 s8, $0x2  }
0xe2: {  	v2 =	vsub.f32 v2, v5;
	v13 =	vld [tilespmem:s7+$0x2460]  }
0xe3: {  	v1 =	vmul.f32 v1, v1;
	v18 =	vld [tilespmem:s7+$0x6C60];
	v5 =	vmul.f32 v11, v11;
	v11 =	vsub.f32 v14, v15  }
0xe4: {  	v14 =	vmul.f32 v2, v2;
	v2 =	vsub.f32 v6, v3;
	v6 =	vld [tilespmem:s7+$0x2440];
	v15 =	vsub.f32 v4, v16  }
0xe5: {  	v1 =	vadd.f32 v1, v7;
	v3 =	vld [tilespmem:s7+$0x6C40];
	v5 =	vadd.f32 v5, v10;
	v7 =	vmul.f32 v11, v11  }
0xe6: {  	v16 =	vsub.f32 v8, v9;
	v10 =	vmul.f32 v2, v2;
	v4 =	vld [tilespmem:s7+$0x2450];
	v11 =	vsub.f32 v17, v12  }
.Ltmp6:
0xe7: {  	v12 =	vadd.f32 v14, v1;
	v14 =	vmul.f32 v15, v15;
	v2 =	vld [tilespmem:s7+$0x2420];
	v7 =	vadd.f32 v7, v5;
	v8 =	vmovc v13;
	(pc) =	sbr.rel @p1 .LBB2_11-.Ltmp6, $4  }
0xe8: {  	v13 =	vmul.f32 v16, v16;
	v5 =	vld [tilespmem:s7+$0x6C20];
	v9 =	vmov v18  }
0xe9: {  	v10 =	vadd.f32 v10, v12;
	v15 =	vmul.f32 v11, v11;
	v1 =	vld [tilespmem:s7+$0x2400];
	v14 =	vadd.f32 v14, v7  }
0xea: {  	v11 =	vld [tilespmem:s7+$0x6C00]  }
0xeb: {  	s8 =	sadd.s32 $0x200, s8;
	v7 =	vadd.f32 v13, v10;
	v12 =	vld [tilespmem:s7+$0x2410];
	v10 =	vadd.f32 v15, v14  }
0xec: {  	v13 =	vld [tilespmem:s7+$0x6C10]  }
0xed: {  	v14 =	vld [tilespmem:s7+$0x2430]  }
0xee: {  	v15 =	vld [tilespmem:s7+$0x6C30]  }
0xef: {  	v16 =	vld [tilespmem:s7+$0x6C50]  }
0xf0: {  	v17 =	vld [tilespmem:s7+$0x2470]  }
0xf1: {  	v18 =	vld [tilespmem:s7+$0x6C70];
	s7 =	simm.s32 $0x0;
	v11 =	vsub.f32 v1, v11  }
0xf2: {  	v3 =	vsub.f32 v6, v3;
	v6 =	vld [tilespmem:s7+$0x2D40];
	v12 =	vsub.f32 v12, v13  }
0xf3: {  	v1 =	vld [tilespmem:s5+$0x9040];
	v13 =	vsub.f32 v2, v5;
	v11 =	vmul.f32 v11, v11  }
0xf4: {  	v2 =	vld [tilespmem:s7+$0x2D60];
	v14 =	vsub.f32 v14, v15;
	v12 =	vmul.f32 v12, v12  }
0xf5: {  	v5 =	vld [tilespmem:s7+$0x7560];
	v13 =	vmul.f32 v13, v13;
	v11 =	vadd.f32 v11, v7  }
0xf6: {  	v4 =	vsub.f32 v4, v16;
	v15 =	vld [tilespmem:s7+$0x2D10];
	v10 =	vadd.f32 v12, v10;
	v12 =	vmul.f32 v14, v14  }
0xf7: {  	v3 =	vmul.f32 v3, v3;
	v7 =	vld [tilespmem:s7+$0x7540];
	v14 =	vsub.f32 v8, v9;
	v11 =	vadd.f32 v13, v11  }
0xf8: {  	v4 =	vmul.f32 v4, v4;
	v8 =	vld [tilespmem:s7+$0x2D50];
	v13 =	vsub.f32 v17, v18;
	v10 =	vadd.f32 v12, v10  }
0xf9: {  	v9 =	vld [tilespmem:s7+$0x2D20];
	v14 =	vmul.f32 v14, v14  }
0xfa: {  	v3 =	vadd.f32 v3, v11;
	v12 =	vld [tilespmem:s7+$0x7520];
	v4 =	vadd.f32 v4, v10;
	v10 =	vmul.f32 v13, v13  }
0xfb: {  	v11 =	vimm.f32 $0.0e+00;
	v13 =	vld [tilespmem:s7+$0x2D00]  }
0xfc: {  	s8 =	simm.s32 $0x200;
	v3 =	vadd.f32 v14, v3;
	v14 =	vld [tilespmem:s7+$0x7500];
	v4 =	vadd.f32 v10, v4;
	v10 =	vimm.f32 $0.0e+00  }
.LBB2_13:
0xfd: {  	p1 =	sne.s32 s8, $0x2200;
	v16 =	vld [tilespmem:s7+$0x7510]  }
0xfe: {  	v17 =	vld [tilespmem:s7+$0x2D30]  }
0xff: {  	v18 =	vld [tilespmem:s7+$0x7530]  }
0x100: {  	v19 =	vld [tilespmem:s7+$0x7550]  }
0x101: {  	v20 =	vld [tilespmem:s7+$0x2D70]  }
0x102: {  	v13 =	vsub.f32 v13, v14;
	v14 =	vsub.f32 v15, v16;
	v15 =	vld [tilespmem:s7+$0x7570];
	s7 =	sshra.s32 s8, $0x2  }
0x103: {  	v9 =	vsub.f32 v9, v12;
	v16 =	vld [tilespmem:s7+$0x2D60]  }
0x104: {  	v12 =	vmul.f32 v13, v13;
	v21 =	vld [tilespmem:s7+$0x7560];
	v13 =	vmul.f32 v14, v14;
	v14 =	vsub.f32 v17, v18  }
0x105: {  	v17 =	vmul.f32 v9, v9;
	v9 =	vsub.f32 v6, v7;
	v6 =	vld [tilespmem:s7+$0x2D40];
	v18 =	vsub.f32 v8, v19  }
0x106: {  	v10 =	vadd.f32 v12, v10;
	v7 =	vld [tilespmem:s7+$0x7540];
	v11 =	vadd.f32 v13, v11;
	v12 =	vmul.f32 v14, v14  }
0x107: {  	v14 =	vmul.f32 v9, v9;
	v13 =	vsub.f32 v2, v5;
	v8 =	vld [tilespmem:s7+$0x2D50];
	v15 =	vsub.f32 v20, v15  }
.Ltmp7:
0x108: {  	v10 =	vadd.f32 v17, v10;
	v17 =	vmul.f32 v18, v18;
	v9 =	vld [tilespmem:s7+$0x2D20];
	v11 =	vadd.f32 v12, v11;
	v2 =	vmovc v16;
	(pc) =	sbr.rel @p1 .LBB2_13-.Ltmp7, $4  }
0x109: {  	v16 =	vmul.f32 v13, v13;
	v12 =	vld [tilespmem:s7+$0x7520];
	v5 =	vmov v21  }
0x10a: {  	v10 =	vadd.f32 v14, v10;
	v13 =	vld [tilespmem:s7+$0x2D00];
	v11 =	vadd.f32 v17, v11;
	v17 =	vmul.f32 v15, v15  }
0x10b: {  	v14 =	vld [tilespmem:s7+$0x7500]  }
0x10c: {  	s8 =	sadd.s32 $0x200, s8;
	v10 =	vadd.f32 v16, v10;
	v15 =	vld [tilespmem:s7+$0x2D10];
	v11 =	vadd.f32 v17, v11  }
0x10d: {  	v16 =	vld [tilespmem:s7+$0x7510];
	s8 =	sadd.s32 @!p0 s6, s16  }
0x10e: {  	v17 =	vld [tilespmem:s7+$0x2D30];
	s8 =	smin.u32 @!p0 s8, $0x4D7  }
0x10f: {  	v18 =	vld [tilespmem:s7+$0x7530];
	s8 =	smul.u32 @!p0 $0x1200, s8  }
0x110: {  	v19 =	vld [tilespmem:s7+$0x7550]  }
0x111: {  	v20 =	vld [tilespmem:s7+$0x2D70];
	s8 =	sshrl.u32 @!p0 s8, $0x3  }
0x112: {  	v21 =	vld [tilespmem:s7+$0x7570];
	s7 =	sadd.s32 @!p0 $0xAE600, s8  }
0x113: {  	s9 =	simm.s32 @!p0 $0x0;
	s10 =	simm.s32 @!p0 $0x2400;
	s8 =	sadd.s32 @!p0 s1, s7  }
0x114: {  	v22 =	vld [tilespmem:s5+$0x9050];
	[tilespmem:s10], [sflag:$0x3] =	stream.linear.gather @!p0 [hbm4b:s8+s9], $0x1200, $0x38  }
0x115: {  	v13 =	vsub.f32 v13, v14;
	s7 =	sadd.s32 @!p0 s3, s7;
	s8 =	simm.s32 @!p0 $0x6C00  }
0x116: {  	v14 =	vsub.f32 v15, v16;
	[tilespmem:s8], [sflag:$0x7] =	stream.linear.gather @!p0 [hbm4b:s7+s9], $0x1200, $0x38;
	[tilespmem:$0x9580] =	vst v63  }
0x117: {  	v9 =	vsub.f32 v9, v12;
	v12 =	vmul.f32 v13, v13;
	_ =	swait.ge [sflag:s23], $0x1200  }
0x118: {  	v13 =	vmul.f32 v14, v14;
	v14 =	vsub.f32 v17, v18;
	[sflag:s23] =	ssyncset.done $0x0  }
0x119: {  	v6 =	vsub.f32 v6, v7;
	v9 =	vmul.f32 v9, v9;
	v7 =	vadd.f32 v12, v10;
	[sflag:s23] =	ssyncadd.s32 $0xFFFFEE00  }
0x11a: {  	v8 =	vsub.f32 v8, v19;
	v10 =	vadd.f32 v13, v11;
	v11 =	vmul.f32 v14, v14;
	_ =	swait.ge [sflag:s24], $0x1200  }
0x11b: {  	v2 =	vsub.f32 v2, v5;
	v6 =	vmul.f32 v6, v6;
	v5 =	vadd.f32 v9, v7;
	[sflag:s24] =	ssyncset.done $0x0  }
0x11c: {  	v8 =	vmul.f32 v8, v8;
	v7 =	vsub.f32 v20, v21;
	s7 =	simm.s32 $0x0;
	v9 =	vadd.f32 v11, v10;
	[sflag:s24] =	ssyncadd.s32 $0xFFFFEE00  }
0x11d: {  	v2 =	vmul.f32 v2, v2;
	v6 =	vadd.f32 v6, v5;
	v5 =	vld [tilespmem:s7+$0x3660]  }
0x11e: {  	v8 =	vadd.f32 v8, v9;
	v9 =	vmul.f32 v7, v7;
	v7 =	vld [tilespmem:s7+$0x7E60]  }
0x11f: {  	v3 =	vadd.f32 v4, v3;
	v2 =	vadd.f32 v2, v6;
	v6 =	vld [tilespmem:s7+$0x3640]  }
0x120: {  	v9 =	vadd.f32 v9, v8;
	v4 =	vld [tilespmem:s7+$0x7E40]  }
0x121: {  	v1 =	vmul.f32 v1, v3;
	v8 =	vld [tilespmem:s7+$0x3650]  }
0x122: {  	v3 =	vld [tilespmem:s7+$0x7E20];
	v9 =	vadd.f32 v9, v2  }
0x123: {  	v0 =	vadd.f32 v1, v0;
	v1 =	vld [tilespmem:s7+$0x3600]  }
0x124: {  	v11 =	vld [tilespmem:s7+$0x7E00];
	v9 =	vmul.f32 v22, v9  }
0x125: {  	v12 =	vld [tilespmem:s7+$0x3610]  }
0x126: {  	s8 =	simm.s32 $0x200;
	v10 =	vimm.f32 $0.0e+00;
	v2 =	vld [tilespmem:s7+$0x3620];
	v0 =	vadd.f32 v9, v0;
	v9 =	vimm.f32 $0.0e+00  }
.LBB2_15:
0x127: {  	p1 =	sne.s32 s8, $0x2200;
	v13 =	vld [tilespmem:s7+$0x7E10]  }
0x128: {  	v14 =	vld [tilespmem:s7+$0x3630]  }
0x129: {  	v15 =	vld [tilespmem:s7+$0x7E30]  }
0x12a: {  	v16 =	vld [tilespmem:s7+$0x7E50]  }
0x12b: {  	v17 =	vld [tilespmem:s7+$0x3670]  }
0x12c: {  	v1 =	vsub.f32 v1, v11;
	v11 =	vsub.f32 v12, v13;
	v12 =	vld [tilespmem:s7+$0x7E70];
	s7 =	sshra.s32 s8, $0x2  }
0x12d: {  	v2 =	vsub.f32 v2, v3;
	v13 =	vld [tilespmem:s7+$0x3660]  }
0x12e: {  	v1 =	vmul.f32 v1, v1;
	v18 =	vld [tilespmem:s7+$0x7E60];
	v3 =	vmul.f32 v11, v11;
	v11 =	vsub.f32 v14, v15  }
0x12f: {  	v14 =	vmul.f32 v2, v2;
	v2 =	vsub.f32 v6, v4;
	v6 =	vld [tilespmem:s7+$0x3640];
	v15 =	vsub.f32 v8, v16  }
0x130: {  	v1 =	vadd.f32 v1, v9;
	v4 =	vld [tilespmem:s7+$0x7E40];
	v3 =	vadd.f32 v3, v10;
	v9 =	vmul.f32 v11, v11  }
0x131: {  	v16 =	vsub.f32 v5, v7;
	v10 =	vmul.f32 v2, v2;
	v8 =	vld [tilespmem:s7+$0x3650];
	v11 =	vsub.f32 v17, v12  }
.Ltmp8:
0x132: {  	v12 =	vadd.f32 v14, v1;
	v14 =	vmul.f32 v15, v15;
	v2 =	vld [tilespmem:s7+$0x3620];
	v9 =	vadd.f32 v9, v3;
	v5 =	vmovc v13;
	(pc) =	sbr.rel @p1 .LBB2_15-.Ltmp8, $4  }
0x133: {  	v13 =	vmul.f32 v16, v16;
	v3 =	vld [tilespmem:s7+$0x7E20];
	v7 =	vmov v18  }
0x134: {  	v10 =	vadd.f32 v10, v12;
	v15 =	vmul.f32 v11, v11;
	v1 =	vld [tilespmem:s7+$0x3600];
	v14 =	vadd.f32 v14, v9  }
0x135: {  	v11 =	vld [tilespmem:s7+$0x7E00]  }
0x136: {  	s8 =	sadd.s32 $0x200, s8;
	v9 =	vadd.f32 v13, v10;
	v12 =	vld [tilespmem:s7+$0x3610];
	v10 =	vadd.f32 v15, v14  }
0x137: {  	v13 =	vld [tilespmem:s7+$0x7E10]  }
0x138: {  	v14 =	vld [tilespmem:s7+$0x3630]  }
0x139: {  	v15 =	vld [tilespmem:s7+$0x7E30]  }
0x13a: {  	v16 =	vld [tilespmem:s7+$0x7E50]  }
0x13b: {  	v17 =	vld [tilespmem:s7+$0x3670]  }
0x13c: {  	v18 =	vld [tilespmem:s7+$0x7E70];
	s7 =	simm.s32 $0x0;
	v11 =	vsub.f32 v1, v11  }
0x13d: {  	v4 =	vsub.f32 v6, v4;
	v6 =	vld [tilespmem:s7+$0x3F40];
	v12 =	vsub.f32 v12, v13  }
0x13e: {  	v5 =	vsub.f32 v5, v7;
	v7 =	vld [tilespmem:s7+$0x3F50];
	v13 =	vsub.f32 v2, v3;
	v11 =	vmul.f32 v11, v11  }
0x13f: {  	v1 =	vld [tilespmem:s5+$0x9060];
	v14 =	vsub.f32 v14, v15;
	v12 =	vmul.f32 v12, v12  }
0x140: {  	v2 =	vld [tilespmem:s7+$0x3F60];
	v13 =	vmul.f32 v13, v13;
	v9 =	vadd.f32 v11, v9  }
0x141: {  	v3 =	vld [tilespmem:s7+$0x8760];
	v11 =	vsub.f32 v8, v16;
	v10 =	vadd.f32 v12, v10;
	v12 =	vmul.f32 v14, v14  }
0x142: {  	v4 =	vmul.f32 v4, v4;
	v15 =	vld [tilespmem:s7+$0x3F10];
	v13 =	vadd.f32 v13, v9  }
0x143: {  	v8 =	vld [tilespmem:s7+$0x8740];
	v14 =	vsub.f32 v17, v18;
	v11 =	vmul.f32 v11, v11;
	v12 =	vadd.f32 v12, v10  }
0x144: {  	v5 =	vmul.f32 v5, v5;
	v9 =	vld [tilespmem:s7+$0x3F20];
	v4 =	vadd.f32 v4, v13  }
0x145: {  	v10 =	vld [tilespmem:s7+$0x8720];
	v11 =	vadd.f32 v11, v12;
	v12 =	vmul.f32 v14, v14  }
0x146: {  	v13 =	vld [tilespmem:s7+$0x3F00];
	v4 =	vadd.f32 v5, v4  }
0x147: {  	s8 =	simm.s32 $0x200;
	v14 =	vld [tilespmem:s7+$0x8700];
	v5 =	vadd.f32 v12, v11;
	v11 =	vimm.f32 $0.0e+00;
	v12 =	vimm.f32 $0.0e+00  }
.LBB2_17:
0x148: {  	p1 =	sne.s32 s8, $0x2200;
	v16 =	vld [tilespmem:s7+$0x8710]  }
0x149: {  	v17 =	vld [tilespmem:s7+$0x3F30]  }
0x14a: {  	v18 =	vld [tilespmem:s7+$0x8730]  }
0x14b: {  	v19 =	vld [tilespmem:s7+$0x8750]  }
0x14c: {  	v20 =	vld [tilespmem:s7+$0x3F70]  }
0x14d: {  	v13 =	vsub.f32 v13, v14;
	v14 =	vsub.f32 v15, v16;
	v15 =	vld [tilespmem:s7+$0x8770];
	s7 =	sshra.s32 s8, $0x2  }
0x14e: {  	v9 =	vsub.f32 v9, v10;
	v16 =	vld [tilespmem:s7+$0x3F60]  }
0x14f: {  	v10 =	vmul.f32 v13, v13;
	v21 =	vld [tilespmem:s7+$0x8760];
	v13 =	vmul.f32 v14, v14;
	v14 =	vsub.f32 v17, v18  }
0x150: {  	v17 =	vmul.f32 v9, v9;
	v9 =	vsub.f32 v6, v8;
	v6 =	vld [tilespmem:s7+$0x3F40];
	v18 =	vsub.f32 v7, v19  }
0x151: {  	v10 =	vadd.f32 v10, v11;
	v8 =	vld [tilespmem:s7+$0x8740];
	v11 =	vadd.f32 v13, v12;
	v12 =	vmul.f32 v14, v14  }
0x152: {  	v14 =	vmul.f32 v9, v9;
	v13 =	vsub.f32 v2, v3;
	v7 =	vld [tilespmem:s7+$0x3F50];
	v15 =	vsub.f32 v20, v15  }
.Ltmp9:
0x153: {  	v17 =	vadd.f32 v17, v10;
	v9 =	vld [tilespmem:s7+$0x3F20];
	v11 =	vadd.f32 v12, v11;
	v12 =	vmul.f32 v18, v18;
	v2 =	vmovc v16;
	(pc) =	sbr.rel @p1 .LBB2_17-.Ltmp9, $4  }
0x154: {  	v16 =	vmul.f32 v13, v13;
	v10 =	vld [tilespmem:s7+$0x8720];
	v3 =	vmov v21  }
0x155: {  	v17 =	vadd.f32 v14, v17;
	v18 =	vmul.f32 v15, v15;
	v13 =	vld [tilespmem:s7+$0x3F00];
	v12 =	vadd.f32 v12, v11  }
0x156: {  	v14 =	vld [tilespmem:s7+$0x8700]  }
0x157: {  	s8 =	sadd.s32 $0x200, s8;
	v11 =	vadd.f32 v16, v17;
	v15 =	vld [tilespmem:s7+$0x3F10];
	v12 =	vadd.f32 v18, v12  }
0x158: {  	v16 =	vld [tilespmem:s7+$0x8710]  }
0x159: {  	v17 =	vld [tilespmem:s7+$0x3F30]  }
0x15a: {  	v18 =	vld [tilespmem:s7+$0x8730];
	_ =	sdelay $0x1  }
0x15b: {  	v19 =	vld [tilespmem:s7+$0x8750];
	v13 =	vsub.f32 v13, v14  }
0x15c: {  	v52 =	vld [tilespmem:s7+$0x3F70];
	v15 =	vsub.f32 v15, v16  }
0x15d: {  	v53 =	vld [tilespmem:s7+$0x8770];
	v9 =	vsub.f32 v9, v10;
	v54 =	vmul.f32 v13, v13  }
0x15e: {  	v56 =	vsub.f32 v17, v18;
	v55 =	vmul.f32 v15, v15  }
0x15f: {  	v6 =	vsub.f32 v6, v8;
	v9 =	vmul.f32 v9, v9;
	v57 =	vadd.f32 v54, v11  }
0x160: {  	v7 =	vsub.f32 v7, v19;
	v59 =	vmul.f32 v56, v56;
	v58 =	vadd.f32 v55, v12  }
0x161: {  	v2 =	vsub.f32 v2, v3;
	v6 =	vmul.f32 v6, v6;
	v3 =	vadd.f32 v9, v57  }
0x162: {  	v60 =	vsub.f32 v52, v53;
	v7 =	vmul.f32 v7, v7;
	v61 =	vadd.f32 v59, v58  }
0x163: {  	v2 =	vmul.f32 v2, v2;
	v3 =	vadd.f32 v6, v3  }
0x164: {  	v63 =	vmul.f32 v60, v60;
	v62 =	vadd.f32 v7, v61  }
0x165: {  	v2 =	vadd.f32 v2, v3;
	v3 =	vld [tilespmem:s5+$0x9070]  }
0x166: {  	v4 =	vadd.f32 v5, v4;
	v6 =	vadd.f32 v63, v62;
	_ =	sdelay $0x1  }
.Ltmp10:
0x167: {  	v1 =	vmul.f32 v1, v4;
	v2 =	vadd.f32 v6, v2;
	(pc) =	sbr.rel @p0 .LBB2_20-.Ltmp10, $3  }
0x168: {  	_ = 	snop  }
0x169: {  	v0 =	vadd.f32 v1, v0;
	v1 =	vmul.f32 v3, v2;
	_ =	sdelay $0x1  }
0x16a: {  	v0 =	vadd.f32 v1, v0  }
0x16b: {  	s5 =	sadd.s32 s6, s17  }
0x16c: {  	s5 =	smin.u32 s5, $0x4D7  }
0x16d: {  	s5 =	smul.u32 $0x1200, s5;
	_ =	sdelay $0x1  }
0x16e: {  	s5 =	sshrl.u32 s5, $0x3  }
.Ltmp11:
0x16f: {  	s5 =	sadd.s32 $0xAE600, s5;
	(pc) =	sbr.rel .LBB2_2-.Ltmp11, $4  }
0x170: {  	s10 =	sadd.s32 s1, s5  }
0x171: {  	[tilespmem:s28], [sflag:$0x4] =	stream.linear.gather [hbm4b:s10+s4], $0x1200, $0x38;
	[tilespmem:$0x9580] =	vst v63  }
0x172: {  	s25 =	sadd.s32 $0x1, s25;
	s5 =	sadd.s32 s3, s5  }
0x173: {  	[tilespmem:s29], [sflag:$0x8] =	stream.linear.gather [hbm4b:s5+s4], $0x1200, $0x38;
	[tilespmem:$0x9580] =	vst v63  }
.LBB2_21:
0x174: {  	_ =	sfence.sel $0x180000  }
0x175: {  	[bflag:$0x0] =	sbarrier.arrive $0xFFFF  }
0x176: {  	_ =	strace $0x90000047  }
0x177: {  	s0 =	stileid.u32;
	[bflag:$0x2] =	sbarrier.arrive $0xFFFF  }
0x178: {  	p0 =	sne.s32 s0, $0x0;
	s0 =	rddreg [dreg:$0x3]  }
0x179: {  	s0 =	sadd.s32 @!p0 $0x100000, s0  }
0x17a: {  	[sflag:s0] =	ssyncadd.tile.s32 @!p0 $0x1;
	_ =	shalt  }
.Lfunc_end2:
_tile_overlayer_lowered:
.L_overlay_start_2:
0x17b: {  	(tag) =	ssettag $0x2  }
0x17c: {  	s0 =	rddreg [dreg:$0x0];
	s2 =	stileid.u32  }
0x17d: {  	s1 =	rddreg [dreg:$0x1];
	p0 =	sne.s32 s2, $0x0  }
0x17e: {  	s3 =	rddreg [dreg:$0x2];
	[bflag:$0x3] =	sbarrier.arrive $0xFFFF;
	s2 =	simm.s32 @!p0 $0x1C09  }
0x17f: {  	[timem:s3], [sflag:s2] =	dma.local @!p0 [hbm:s0], s1  }
0x180: {  	s0 =	simm.s32 @!p0 $0x9  }
0x181: {  	_ =	swait.ge @!p0 [sflag:s0], s1  }
0x182: {  	s1 =	ssub.s32 @!p0 $0x0, s1;
	[sflag:s0] =	ssyncset.done @!p0 $0x0  }
0x183: {  	[sflag:s0] =	ssyncadd.s32 @!p0 s1  }
0x184: {  	[bflag:$0x3] =	sbarrier.arrive $0xFFFF  }
0x185: {  	_ =	shalt  }

</sc_bundles>
